<compile_context>
chip_gen: v7x
topology: tpu7x:2x2x1
jax: 0.10.2.dev20260603
libtpu: 0.0.44.dev20260713+nightly
codegen_flags: <defaults>
</compile_context>

<pallas_src>
import functools

import jax
import jax.numpy as jnp
from jax import lax
from jax.experimental import pallas as pl
from jax.experimental.pallas import tpu as pltpu
from jax.experimental.pallas import tpu_sc as plsc

DIM = 128
ROWS = 8192
N_IDX = 4096 * 50
GROUP = 80
_info = plsc.get_sparse_core_info()
NC = _info.num_cores
NS = _info.num_subcores
NW = NC * NS
PER_W = N_IDX // NW
NGROUP = PER_W // GROUP
NBUF = 5
LA = 2
NB = NGROUP // NBUF
STAGE = ROWS // NS


@functools.partial(
    pl.kernel,
    out_type=jax.ShapeDtypeStruct((N_IDX, DIM), jnp.float32),
    mesh=plsc.VectorSubcoreMesh(core_axis_name="c", subcore_axis_name="s"),
    scratch_types=[
        pltpu.VMEM_SHARED((ROWS, DIM), jnp.float32),
        pltpu.VMEM((NGROUP, GROUP), jnp.int32),
        [pltpu.VMEM((GROUP, DIM), jnp.float32)] * NBUF,
        [pltpu.SemaphoreType.DMA] * NBUF,
        [pltpu.SemaphoreType.DMA] * NBUF,
        pltpu.SemaphoreType.DMA,
    ],
)
def _gather_kernel(table_hbm, idx_hbm, out_hbm, table_sp, idx_v, rows, gsem,
                   ssem, tsem):
    cid = lax.axis_index("c")
    sid = lax.axis_index("s")
    wid = sid * NC + cid
    row_base = wid * NGROUP

    stage_desc = pltpu.async_copy(
        table_hbm.at[pl.ds(sid * STAGE, STAGE)],
        table_sp.at[pl.ds(sid * STAGE, STAGE)],
        tsem,
    )
    pltpu.sync_copy(idx_hbm.at[wid], idx_v)
    stage_desc.wait()
    plsc.subcore_barrier()

    def start_gather(j, b):
        pltpu.async_copy(table_sp.at[idx_v.at[j]], rows[b], gsem[b])

    def wait_gather(b):
        pltpu.make_async_copy(
            table_sp.at[pl.ds(0, GROUP)], rows[b], gsem[b]
        ).wait()

    def start_store(j, b):
        pltpu.async_copy(
            rows[b], out_hbm.at[pl.ds((row_base + j) * GROUP, GROUP)], ssem[b]
        )

    def wait_store(b):
        pltpu.make_async_copy(
            rows[b], out_hbm.at[pl.ds(0, GROUP)], ssem[b]
        ).wait()

    for j in range(LA):
        start_gather(j, j)

    for b in range(NBUF):
        jn = b + LA
        if jn >= NBUF:
            wait_store(jn % NBUF)
        start_gather(jn, jn % NBUF)
        wait_gather(b)
        start_store(b, b)

    @pl.loop(1, NB - 1)
    def _(g):
        j0 = g * NBUF
        for b in range(NBUF):
            bn = (b + LA) % NBUF
            wait_store(bn)
            start_gather(j0 + b + LA, bn)
            wait_gather(b)
            start_store(j0 + b, b)

    j0 = (NB - 1) * NBUF
    for b in range(NBUF):
        if b < NBUF - LA:
            bn = (b + LA) % NBUF
            wait_store(bn)
            start_gather(j0 + b + LA, bn)
        wait_gather(b)
        start_store(j0 + b, b)

    for b in range(NBUF):
        wait_store(b)


def kernel(positions, encodings):
    idx = positions.reshape(NW, NGROUP, GROUP).astype(jnp.int32)
    out = _gather_kernel(encodings, idx)
    return out.reshape(positions.shape[0], 1, positions.shape[1], DIM)

# --- scband reference (transcript-rebuilt; emitter-appended) ---
"""Pipeline reference for scband-positional-encoding-13108240188132 (READ-ONLY COPY).

The authoritative reference and input builder live on the scoring server;
editing this copy changes nothing except your own understanding.
"""

import jax, jax.numpy as jnp
import numpy as np
import math

DIM = 128
MAX_LENGTH = 8192

def _build_encodings():
    position = np.arange(0, MAX_LENGTH, dtype=np.float32)[:, None]
    div_term = np.exp(np.arange(0, DIM, 2).astype(np.float32) * (-math.log(10000.0) / DIM))
    enc = np.zeros((MAX_LENGTH, DIM), dtype=np.float32)
    enc[:, 0::2] = np.sin(position * div_term)
    enc[:, 1::2] = np.cos(position * div_term)
    return jnp.asarray(enc)

def setup_inputs(seed: int = 0) -> dict:
    key = jax.random.key(seed)
    positions = jax.random.randint(key, (4096, 50), 0, MAX_LENGTH, dtype=jnp.int64 if jax.config.jax_enable_x64 else jnp.int32)
    encodings = _build_encodings()
    return {"positions": positions, "encodings": encodings}

def reference(positions, encodings):
    # out = self.encodings[positions]; dropout_p=0 -> identity; batch_first=False -> unsqueeze(1)
    out = jnp.take(encodings, positions, axis=0)
    return jnp.expand_dims(out, 1)

if __name__ == "__main__":
    import jax
    _d = setup_inputs()
    print(jax.jit(kernel)(*tuple(_d.values())))

</pallas_src>

<mosaic_0001>
#map = affine_map<(d0, d1) -> (0, 0)>
#map1 = affine_map<(d0, d1) -> (0, 0, 0)>
module attributes {stable_mosaic.version = 14 : i64} {
  func.func @_gather_kernel(%arg0: i32, %arg1: i32, %arg2: memref<8192x128xf32, #tpu.memory_space<hbm>>, %arg3: memref<32x80x80xi32, #tpu.memory_space<hbm>>, %arg4: memref<204800x128xf32, #tpu.memory_space<hbm>>, %arg5: memref<8192x128xf32, #tpu.memory_space<vmem_shared>>, %arg6: memref<80x80xi32, #tpu.memory_space<vmem>>, %arg7: memref<80x128xf32, #tpu.memory_space<vmem>>, %arg8: memref<80x128xf32, #tpu.memory_space<vmem>>, %arg9: memref<80x128xf32, #tpu.memory_space<vmem>>, %arg10: memref<80x128xf32, #tpu.memory_space<vmem>>, %arg11: memref<80x128xf32, #tpu.memory_space<vmem>>, %arg12: memref<!tpu.dma_semaphore, #tpu.memory_space<semaphore_mem>>, %arg13: memref<!tpu.dma_semaphore, #tpu.memory_space<semaphore_mem>>, %arg14: memref<!tpu.dma_semaphore, #tpu.memory_space<semaphore_mem>>, %arg15: memref<!tpu.dma_semaphore, #tpu.memory_space<semaphore_mem>>, %arg16: memref<!tpu.dma_semaphore, #tpu.memory_space<semaphore_mem>>, %arg17: memref<!tpu.dma_semaphore, #tpu.memory_space<semaphore_mem>>, %arg18: memref<!tpu.dma_semaphore, #tpu.memory_space<semaphore_mem>>, %arg19: memref<!tpu.dma_semaphore, #tpu.memory_space<semaphore_mem>>, %arg20: memref<!tpu.dma_semaphore, #tpu.memory_space<semaphore_mem>>, %arg21: memref<!tpu.dma_semaphore, #tpu.memory_space<semaphore_mem>>, %arg22: memref<!tpu.dma_semaphore, #tpu.memory_space<semaphore_mem>>) attributes {dimension_semantics = [#tpu.dimension_semantics<core_parallel>, #tpu.dimension_semantics<subcore_parallel>], iteration_bounds = array<i64: 2, 16>, scalar_prefetch = 0 : i64, scratch_operands = 18 : i64, tpu.core_type = #tpu.core_type<sc_vector_subcore>, window_params = [{transform_indices = #map}, {transform_indices = #map1}, {transform_indices = #map}]} {
    %mul3A = arith.constant 2 : i32
    %mul3A_0 = arith.muli %arg1, %mul3A : i32
    %add3A = arith.addi %mul3A_0, %arg0 : i32
    %mul3A_1 = arith.constant 80 : i32
    %mul3A_2 = arith.muli %add3A, %mul3A_1 : i32
    %mul3A_3 = arith.constant 512 : i32
    %mul3A_4 = arith.muli %arg1, %mul3A_3 : i32
    %mul3A_5 = arith.constant 512 : i32
    %mul3A_6 = arith.muli %arg1, %mul3A_5 : i32
    %dma_start3A = arith.constant 0 : i32
    %dma_start3A_7 = tpu.memref_slice %arg5[%mul3A_6, %dma_start3A] : memref<8192x128xf32, #tpu.memory_space<vmem_shared>> -> memref<512x128xf32, #tpu.memory_space<vmem_shared>>
    %dma_start3A_8 = arith.constant 0 : i32
    %dma_start3A_9 = tpu.memref_slice %arg2[%mul3A_4, %dma_start3A_8] : memref<8192x128xf32, #tpu.memory_space<hbm>> -> memref<512x128xf32, #tpu.memory_space<hbm>>
    tpu.enqueue_dma source(%dma_start3A_9 : memref<512x128xf32, #tpu.memory_space<hbm>>) target(%dma_start3A_7 : memref<512x128xf32, #tpu.memory_space<vmem_shared>>) target_semaphore(%arg22 : memref<!tpu.dma_semaphore, #tpu.memory_space<semaphore_mem>>)
    "tpu.region"() ({
      %run_scoped3A = tpu.sem_alloc : memref<!tpu.dma_semaphore, #tpu.memory_space<semaphore_mem>>
      %dma_start3A_287 = arith.constant 0 : i32
      %dma_start3A_288 = arith.constant 0 : i32
      %dma_start3A_289 = tpu.memref_slice %arg3[%add3A, %dma_start3A_287, %dma_start3A_288] : memref<32x80x80xi32, #tpu.memory_space<hbm>> -> memref<1x80x80xi32, #tpu.memory_space<hbm>>
      %dma_start3A_290 = tpu.memref_squeeze %dma_start3A_289 : memref<1x80x80xi32, #tpu.memory_space<hbm>> -> memref<80x80xi32, #tpu.memory_space<hbm>>
      %dma_start3A_291 = arith.constant 0 : i32
      %dma_start3A_292 = arith.constant 0 : i32
      %dma_start3A_293 = tpu.memref_slice %arg3[%add3A, %dma_start3A_291, %dma_start3A_292] : memref<32x80x80xi32, #tpu.memory_space<hbm>> -> memref<1x80x80xi32, #tpu.memory_space<hbm>>
      %dma_start3A_294 = tpu.memref_squeeze %dma_start3A_293 : memref<1x80x80xi32, #tpu.memory_space<hbm>> -> memref<80x80xi32, #tpu.memory_space<hbm>>
      tpu.enqueue_dma source(%dma_start3A_294 : memref<80x80xi32, #tpu.memory_space<hbm>>) target(%arg6 : memref<80x80xi32, #tpu.memory_space<vmem>>) target_semaphore(%run_scoped3A : memref<!tpu.dma_semaphore, #tpu.memory_space<semaphore_mem>>)
      %dma_wait3A_295 = arith.constant 0 : i32
      %dma_wait3A_296 = arith.constant 0 : i32
      %dma_wait3A_297 = tpu.memref_slice %arg3[%add3A, %dma_wait3A_295, %dma_wait3A_296] : memref<32x80x80xi32, #tpu.memory_space<hbm>> -> memref<1x80x80xi32, #tpu.memory_space<hbm>>
      %dma_wait3A_298 = tpu.memref_squeeze %dma_wait3A_297 : memref<1x80x80xi32, #tpu.memory_space<hbm>> -> memref<80x80xi32, #tpu.memory_space<hbm>>
      %dma_wait3A_299 = arith.constant 0 : i32
      %dma_wait3A_300 = arith.constant 0 : i32
      %dma_wait3A_301 = tpu.memref_slice %arg3[%add3A, %dma_wait3A_299, %dma_wait3A_300] : memref<32x80x80xi32, #tpu.memory_space<hbm>> -> memref<1x80x80xi32, #tpu.memory_space<hbm>>
      %dma_wait3A_302 = tpu.memref_squeeze %dma_wait3A_301 : memref<1x80x80xi32, #tpu.memory_space<hbm>> -> memref<80x80xi32, #tpu.memory_space<hbm>>
      tpu.wait_dma2 semaphore(%run_scoped3A : memref<!tpu.dma_semaphore, #tpu.memory_space<semaphore_mem>>) src(%dma_wait3A_302 : memref<80x80xi32, #tpu.memory_space<hbm>>) dst(%arg6 : memref<80x80xi32, #tpu.memory_space<vmem>>)
      tpu.yield
    }) : () -> ()
    %dma_wait3A = arith.constant 0 : i32
    %dma_wait3A_10 = tpu.memref_slice %arg5[%mul3A_6, %dma_wait3A] : memref<8192x128xf32, #tpu.memory_space<vmem_shared>> -> memref<512x128xf32, #tpu.memory_space<vmem_shared>>
    %dma_wait3A_11 = arith.constant 0 : i32
    %dma_wait3A_12 = tpu.memref_slice %arg2[%mul3A_4, %dma_wait3A_11] : memref<8192x128xf32, #tpu.memory_space<hbm>> -> memref<512x128xf32, #tpu.memory_space<hbm>>
    tpu.wait_dma2 semaphore(%arg22 : memref<!tpu.dma_semaphore, #tpu.memory_space<semaphore_mem>>) src(%dma_wait3A_12 : memref<512x128xf32, #tpu.memory_space<hbm>>) dst(%dma_wait3A_10 : memref<512x128xf32, #tpu.memory_space<vmem_shared>>)
    %barrier3A = arith.constant 0 : index
    tpu.barrier barrier_id(%barrier3A)
    %dma_start3A_13 = arith.constant 0 : i32
    %dma_start3A_14 = arith.constant 0 : i32
    %dma_start3A_15 = tpu.memref_slice %arg6[%dma_start3A_13, %dma_start3A_14] : memref<80x80xi32, #tpu.memory_space<vmem>> -> memref<1x80xi32, #tpu.memory_space<vmem>>
    %dma_start3A_16 = tpu.memref_squeeze %dma_start3A_15 : memref<1x80xi32, #tpu.memory_space<vmem>> -> memref<80xi32, #tpu.memory_space<vmem>>
    %dma_start3A_17 = arith.constant 0 : i32
    %dma_start3A_18 = arith.constant 0 : i32
    %dma_start3A_19 = tpu.memref_slice %arg5[%dma_start3A_17, %dma_start3A_18] : memref<8192x128xf32, #tpu.memory_space<vmem_shared>> -> memref<8192x128xf32, #tpu.memory_space<vmem_shared>>
    tpu.enqueue_indirect_dma source(%dma_start3A_19 : memref<8192x128xf32, #tpu.memory_space<vmem_shared>>) target(%arg7 : memref<80x128xf32, #tpu.memory_space<vmem>>) offsets(%dma_start3A_16 : memref<80xi32, #tpu.memory_space<vmem>>) semaphore(%arg12 : memref<!tpu.dma_semaphore, #tpu.memory_space<semaphore_mem>>)
    %dma_start3A_20 = arith.constant 1 : i32
    %dma_start3A_21 = arith.constant 0 : i32
    %dma_start3A_22 = tpu.memref_slice %arg6[%dma_start3A_20, %dma_start3A_21] : memref<80x80xi32, #tpu.memory_space<vmem>> -> memref<1x80xi32, #tpu.memory_space<vmem>>
    %dma_start3A_23 = tpu.memref_squeeze %dma_start3A_22 : memref<1x80xi32, #tpu.memory_space<vmem>> -> memref<80xi32, #tpu.memory_space<vmem>>
    %dma_start3A_24 = arith.constant 0 : i32
    %dma_start3A_25 = arith.constant 0 : i32
    %dma_start3A_26 = tpu.memref_slice %arg5[%dma_start3A_24, %dma_start3A_25] : memref<8192x128xf32, #tpu.memory_space<vmem_shared>> -> memref<8192x128xf32, #tpu.memory_space<vmem_shared>>
    tpu.enqueue_indirect_dma source(%dma_start3A_26 : memref<8192x128xf32, #tpu.memory_space<vmem_shared>>) target(%arg8 : memref<80x128xf32, #tpu.memory_space<vmem>>) offsets(%dma_start3A_23 : memref<80xi32, #tpu.memory_space<vmem>>) semaphore(%arg13 : memref<!tpu.dma_semaphore, #tpu.memory_space<semaphore_mem>>)
    %dma_start3A_27 = arith.constant 2 : i32
    %dma_start3A_28 = arith.constant 0 : i32
    %dma_start3A_29 = tpu.memref_slice %arg6[%dma_start3A_27, %dma_start3A_28] : memref<80x80xi32, #tpu.memory_space<vmem>> -> memref<1x80xi32, #tpu.memory_space<vmem>>
    %dma_start3A_30 = tpu.memref_squeeze %dma_start3A_29 : memref<1x80xi32, #tpu.memory_space<vmem>> -> memref<80xi32, #tpu.memory_space<vmem>>
    %dma_start3A_31 = arith.constant 0 : i32
    %dma_start3A_32 = arith.constant 0 : i32
    %dma_start3A_33 = tpu.memref_slice %arg5[%dma_start3A_31, %dma_start3A_32] : memref<8192x128xf32, #tpu.memory_space<vmem_shared>> -> memref<8192x128xf32, #tpu.memory_space<vmem_shared>>
    tpu.enqueue_indirect_dma source(%dma_start3A_33 : memref<8192x128xf32, #tpu.memory_space<vmem_shared>>) target(%arg9 : memref<80x128xf32, #tpu.memory_space<vmem>>) offsets(%dma_start3A_30 : memref<80xi32, #tpu.memory_space<vmem>>) semaphore(%arg14 : memref<!tpu.dma_semaphore, #tpu.memory_space<semaphore_mem>>)
    %dma_wait3A_34 = arith.constant 0 : i32
    %dma_wait3A_35 = arith.constant 0 : i32
    %dma_wait3A_36 = tpu.memref_slice %arg5[%dma_wait3A_34, %dma_wait3A_35] : memref<8192x128xf32, #tpu.memory_space<vmem_shared>> -> memref<80x128xf32, #tpu.memory_space<vmem_shared>>
    %dma_wait3A_37 = arith.constant 0 : i32
    %dma_wait3A_38 = arith.constant 0 : i32
    %dma_wait3A_39 = tpu.memref_slice %arg5[%dma_wait3A_37, %dma_wait3A_38] : memref<8192x128xf32, #tpu.memory_space<vmem_shared>> -> memref<80x128xf32, #tpu.memory_space<vmem_shared>>
    tpu.wait_dma2 semaphore(%arg12 : memref<!tpu.dma_semaphore, #tpu.memory_space<semaphore_mem>>) src(%dma_wait3A_39 : memref<80x128xf32, #tpu.memory_space<vmem_shared>>) dst(%arg7 : memref<80x128xf32, #tpu.memory_space<vmem>>)
    %add3A_40 = arith.constant 0 : i32
    %add3A_41 = arith.addi %mul3A_2, %add3A_40 : i32
    %mul3A_42 = arith.constant 80 : i32
    %mul3A_43 = arith.muli %add3A_41, %mul3A_42 : i32
    %dma_start3A_44 = arith.constant 0 : i32
    %dma_start3A_45 = tpu.memref_slice %arg4[%mul3A_43, %dma_start3A_44] : memref<204800x128xf32, #tpu.memory_space<hbm>> -> memref<80x128xf32, #tpu.memory_space<hbm>>
    %dma_start3A_46 = arith.constant 0 : i32
    %dma_start3A_47 = tpu.memref_slice %arg4[%mul3A_43, %dma_start3A_46] : memref<204800x128xf32, #tpu.memory_space<hbm>> -> memref<80x128xf32, #tpu.memory_space<hbm>>
    tpu.enqueue_dma source(%arg7 : memref<80x128xf32, #tpu.memory_space<vmem>>) target(%dma_start3A_47 : memref<80x128xf32, #tpu.memory_space<hbm>>) target_semaphore(%arg17 : memref<!tpu.dma_semaphore, #tpu.memory_space<semaphore_mem>>)
    %dma_start3A_48 = arith.constant 3 : i32
    %dma_start3A_49 = arith.constant 0 : i32
    %dma_start3A_50 = tpu.memref_slice %arg6[%dma_start3A_48, %dma_start3A_49] : memref<80x80xi32, #tpu.memory_space<vmem>> -> memref<1x80xi32, #tpu.memory_space<vmem>>
    %dma_start3A_51 = tpu.memref_squeeze %dma_start3A_50 : memref<1x80xi32, #tpu.memory_space<vmem>> -> memref<80xi32, #tpu.memory_space<vmem>>
    %dma_start3A_52 = arith.constant 0 : i32
    %dma_start3A_53 = arith.constant 0 : i32
    %dma_start3A_54 = tpu.memref_slice %arg5[%dma_start3A_52, %dma_start3A_53] : memref<8192x128xf32, #tpu.memory_space<vmem_shared>> -> memref<8192x128xf32, #tpu.memory_space<vmem_shared>>
    tpu.enqueue_indirect_dma source(%dma_start3A_54 : memref<8192x128xf32, #tpu.memory_space<vmem_shared>>) target(%arg10 : memref<80x128xf32, #tpu.memory_space<vmem>>) offsets(%dma_start3A_51 : memref<80xi32, #tpu.memory_space<vmem>>) semaphore(%arg15 : memref<!tpu.dma_semaphore, #tpu.memory_space<semaphore_mem>>)
    %dma_wait3A_55 = arith.constant 0 : i32
    %dma_wait3A_56 = arith.constant 0 : i32
    %dma_wait3A_57 = tpu.memref_slice %arg5[%dma_wait3A_55, %dma_wait3A_56] : memref<8192x128xf32, #tpu.memory_space<vmem_shared>> -> memref<80x128xf32, #tpu.memory_space<vmem_shared>>
    %dma_wait3A_58 = arith.constant 0 : i32
    %dma_wait3A_59 = arith.constant 0 : i32
    %dma_wait3A_60 = tpu.memref_slice %arg5[%dma_wait3A_58, %dma_wait3A_59] : memref<8192x128xf32, #tpu.memory_space<vmem_shared>> -> memref<80x128xf32, #tpu.memory_space<vmem_shared>>
    tpu.wait_dma2 semaphore(%arg13 : memref<!tpu.dma_semaphore, #tpu.memory_space<semaphore_mem>>) src(%dma_wait3A_60 : memref<80x128xf32, #tpu.memory_space<vmem_shared>>) dst(%arg8 : memref<80x128xf32, #tpu.memory_space<vmem>>)
    %add3A_61 = arith.constant 1 : i32
    %add3A_62 = arith.addi %mul3A_2, %add3A_61 : i32
    %mul3A_63 = arith.constant 80 : i32
    %mul3A_64 = arith.muli %add3A_62, %mul3A_63 : i32
    %dma_start3A_65 = arith.constant 0 : i32
    %dma_start3A_66 = tpu.memref_slice %arg4[%mul3A_64, %dma_start3A_65] : memref<204800x128xf32, #tpu.memory_space<hbm>> -> memref<80x128xf32, #tpu.memory_space<hbm>>
    %dma_start3A_67 = arith.constant 0 : i32
    %dma_start3A_68 = tpu.memref_slice %arg4[%mul3A_64, %dma_start3A_67] : memref<204800x128xf32, #tpu.memory_space<hbm>> -> memref<80x128xf32, #tpu.memory_space<hbm>>
    tpu.enqueue_dma source(%arg8 : memref<80x128xf32, #tpu.memory_space<vmem>>) target(%dma_start3A_68 : memref<80x128xf32, #tpu.memory_space<hbm>>) target_semaphore(%arg18 : memref<!tpu.dma_semaphore, #tpu.memory_space<semaphore_mem>>)
    %dma_start3A_69 = arith.constant 4 : i32
    %dma_start3A_70 = arith.constant 0 : i32
    %dma_start3A_71 = tpu.memref_slice %arg6[%dma_start3A_69, %dma_start3A_70] : memref<80x80xi32, #tpu.memory_space<vmem>> -> memref<1x80xi32, #tpu.memory_space<vmem>>
    %dma_start3A_72 = tpu.memref_squeeze %dma_start3A_71 : memref<1x80xi32, #tpu.memory_space<vmem>> -> memref<80xi32, #tpu.memory_space<vmem>>
    %dma_start3A_73 = arith.constant 0 : i32
    %dma_start3A_74 = arith.constant 0 : i32
    %dma_start3A_75 = tpu.memref_slice %arg5[%dma_start3A_73, %dma_start3A_74] : memref<8192x128xf32, #tpu.memory_space<vmem_shared>> -> memref<8192x128xf32, #tpu.memory_space<vmem_shared>>
    tpu.enqueue_indirect_dma source(%dma_start3A_75 : memref<8192x128xf32, #tpu.memory_space<vmem_shared>>) target(%arg11 : memref<80x128xf32, #tpu.memory_space<vmem>>) offsets(%dma_start3A_72 : memref<80xi32, #tpu.memory_space<vmem>>) semaphore(%arg16 : memref<!tpu.dma_semaphore, #tpu.memory_space<semaphore_mem>>)
    %dma_wait3A_76 = arith.constant 0 : i32
    %dma_wait3A_77 = arith.constant 0 : i32
    %dma_wait3A_78 = tpu.memref_slice %arg5[%dma_wait3A_76, %dma_wait3A_77] : memref<8192x128xf32, #tpu.memory_space<vmem_shared>> -> memref<80x128xf32, #tpu.memory_space<vmem_shared>>
    %dma_wait3A_79 = arith.constant 0 : i32
    %dma_wait3A_80 = arith.constant 0 : i32
    %dma_wait3A_81 = tpu.memref_slice %arg5[%dma_wait3A_79, %dma_wait3A_80] : memref<8192x128xf32, #tpu.memory_space<vmem_shared>> -> memref<80x128xf32, #tpu.memory_space<vmem_shared>>
    tpu.wait_dma2 semaphore(%arg14 : memref<!tpu.dma_semaphore, #tpu.memory_space<semaphore_mem>>) src(%dma_wait3A_81 : memref<80x128xf32, #tpu.memory_space<vmem_shared>>) dst(%arg9 : memref<80x128xf32, #tpu.memory_space<vmem>>)
    %add3A_82 = arith.constant 2 : i32
    %add3A_83 = arith.addi %mul3A_2, %add3A_82 : i32
    %mul3A_84 = arith.constant 80 : i32
    %mul3A_85 = arith.muli %add3A_83, %mul3A_84 : i32
    %dma_start3A_86 = arith.constant 0 : i32
    %dma_start3A_87 = tpu.memref_slice %arg4[%mul3A_85, %dma_start3A_86] : memref<204800x128xf32, #tpu.memory_space<hbm>> -> memref<80x128xf32, #tpu.memory_space<hbm>>
    %dma_start3A_88 = arith.constant 0 : i32
    %dma_start3A_89 = tpu.memref_slice %arg4[%mul3A_85, %dma_start3A_88] : memref<204800x128xf32, #tpu.memory_space<hbm>> -> memref<80x128xf32, #tpu.memory_space<hbm>>
    tpu.enqueue_dma source(%arg9 : memref<80x128xf32, #tpu.memory_space<vmem>>) target(%dma_start3A_89 : memref<80x128xf32, #tpu.memory_space<hbm>>) target_semaphore(%arg19 : memref<!tpu.dma_semaphore, #tpu.memory_space<semaphore_mem>>)
    %dma_wait3A_90 = arith.constant 0 : i32
    %dma_wait3A_91 = arith.constant 0 : i32
    %dma_wait3A_92 = tpu.memref_slice %arg4[%dma_wait3A_90, %dma_wait3A_91] : memref<204800x128xf32, #tpu.memory_space<hbm>> -> memref<80x128xf32, #tpu.memory_space<hbm>>
    %dma_wait3A_93 = arith.constant 0 : i32
    %dma_wait3A_94 = arith.constant 0 : i32
    %dma_wait3A_95 = tpu.memref_slice %arg4[%dma_wait3A_93, %dma_wait3A_94] : memref<204800x128xf32, #tpu.memory_space<hbm>> -> memref<80x128xf32, #tpu.memory_space<hbm>>
    tpu.wait_dma2 semaphore(%arg17 : memref<!tpu.dma_semaphore, #tpu.memory_space<semaphore_mem>>) src(%arg7 : memref<80x128xf32, #tpu.memory_space<vmem>>) dst(%dma_wait3A_95 : memref<80x128xf32, #tpu.memory_space<hbm>>)
    %dma_start3A_96 = arith.constant 5 : i32
    %dma_start3A_97 = arith.constant 0 : i32
    %dma_start3A_98 = tpu.memref_slice %arg6[%dma_start3A_96, %dma_start3A_97] : memref<80x80xi32, #tpu.memory_space<vmem>> -> memref<1x80xi32, #tpu.memory_space<vmem>>
    %dma_start3A_99 = tpu.memref_squeeze %dma_start3A_98 : memref<1x80xi32, #tpu.memory_space<vmem>> -> memref<80xi32, #tpu.memory_space<vmem>>
    %dma_start3A_100 = arith.constant 0 : i32
    %dma_start3A_101 = arith.constant 0 : i32
    %dma_start3A_102 = tpu.memref_slice %arg5[%dma_start3A_100, %dma_start3A_101] : memref<8192x128xf32, #tpu.memory_space<vmem_shared>> -> memref<8192x128xf32, #tpu.memory_space<vmem_shared>>
    tpu.enqueue_indirect_dma source(%dma_start3A_102 : memref<8192x128xf32, #tpu.memory_space<vmem_shared>>) target(%arg7 : memref<80x128xf32, #tpu.memory_space<vmem>>) offsets(%dma_start3A_99 : memref<80xi32, #tpu.memory_space<vmem>>) semaphore(%arg12 : memref<!tpu.dma_semaphore, #tpu.memory_space<semaphore_mem>>)
    %dma_wait3A_103 = arith.constant 0 : i32
    %dma_wait3A_104 = arith.constant 0 : i32
    %dma_wait3A_105 = tpu.memref_slice %arg5[%dma_wait3A_103, %dma_wait3A_104] : memref<8192x128xf32, #tpu.memory_space<vmem_shared>> -> memref<80x128xf32, #tpu.memory_space<vmem_shared>>
    %dma_wait3A_106 = arith.constant 0 : i32
    %dma_wait3A_107 = arith.constant 0 : i32
    %dma_wait3A_108 = tpu.memref_slice %arg5[%dma_wait3A_106, %dma_wait3A_107] : memref<8192x128xf32, #tpu.memory_space<vmem_shared>> -> memref<80x128xf32, #tpu.memory_space<vmem_shared>>
    tpu.wait_dma2 semaphore(%arg15 : memref<!tpu.dma_semaphore, #tpu.memory_space<semaphore_mem>>) src(%dma_wait3A_108 : memref<80x128xf32, #tpu.memory_space<vmem_shared>>) dst(%arg10 : memref<80x128xf32, #tpu.memory_space<vmem>>)
    %add3A_109 = arith.constant 3 : i32
    %add3A_110 = arith.addi %mul3A_2, %add3A_109 : i32
    %mul3A_111 = arith.constant 80 : i32
    %mul3A_112 = arith.muli %add3A_110, %mul3A_111 : i32
    %dma_start3A_113 = arith.constant 0 : i32
    %dma_start3A_114 = tpu.memref_slice %arg4[%mul3A_112, %dma_start3A_113] : memref<204800x128xf32, #tpu.memory_space<hbm>> -> memref<80x128xf32, #tpu.memory_space<hbm>>
    %dma_start3A_115 = arith.constant 0 : i32
    %dma_start3A_116 = tpu.memref_slice %arg4[%mul3A_112, %dma_start3A_115] : memref<204800x128xf32, #tpu.memory_space<hbm>> -> memref<80x128xf32, #tpu.memory_space<hbm>>
    tpu.enqueue_dma source(%arg10 : memref<80x128xf32, #tpu.memory_space<vmem>>) target(%dma_start3A_116 : memref<80x128xf32, #tpu.memory_space<hbm>>) target_semaphore(%arg20 : memref<!tpu.dma_semaphore, #tpu.memory_space<semaphore_mem>>)
    %dma_wait3A_117 = arith.constant 0 : i32
    %dma_wait3A_118 = arith.constant 0 : i32
    %dma_wait3A_119 = tpu.memref_slice %arg4[%dma_wait3A_117, %dma_wait3A_118] : memref<204800x128xf32, #tpu.memory_space<hbm>> -> memref<80x128xf32, #tpu.memory_space<hbm>>
    %dma_wait3A_120 = arith.constant 0 : i32
    %dma_wait3A_121 = arith.constant 0 : i32
    %dma_wait3A_122 = tpu.memref_slice %arg4[%dma_wait3A_120, %dma_wait3A_121] : memref<204800x128xf32, #tpu.memory_space<hbm>> -> memref<80x128xf32, #tpu.memory_space<hbm>>
    tpu.wait_dma2 semaphore(%arg18 : memref<!tpu.dma_semaphore, #tpu.memory_space<semaphore_mem>>) src(%arg8 : memref<80x128xf32, #tpu.memory_space<vmem>>) dst(%dma_wait3A_122 : memref<80x128xf32, #tpu.memory_space<hbm>>)
    %dma_start3A_123 = arith.constant 6 : i32
    %dma_start3A_124 = arith.constant 0 : i32
    %dma_start3A_125 = tpu.memref_slice %arg6[%dma_start3A_123, %dma_start3A_124] : memref<80x80xi32, #tpu.memory_space<vmem>> -> memref<1x80xi32, #tpu.memory_space<vmem>>
    %dma_start3A_126 = tpu.memref_squeeze %dma_start3A_125 : memref<1x80xi32, #tpu.memory_space<vmem>> -> memref<80xi32, #tpu.memory_space<vmem>>
    %dma_start3A_127 = arith.constant 0 : i32
    %dma_start3A_128 = arith.constant 0 : i32
    %dma_start3A_129 = tpu.memref_slice %arg5[%dma_start3A_127, %dma_start3A_128] : memref<8192x128xf32, #tpu.memory_space<vmem_shared>> -> memref<8192x128xf32, #tpu.memory_space<vmem_shared>>
    tpu.enqueue_indirect_dma source(%dma_start3A_129 : memref<8192x128xf32, #tpu.memory_space<vmem_shared>>) target(%arg8 : memref<80x128xf32, #tpu.memory_space<vmem>>) offsets(%dma_start3A_126 : memref<80xi32, #tpu.memory_space<vmem>>) semaphore(%arg13 : memref<!tpu.dma_semaphore, #tpu.memory_space<semaphore_mem>>)
    %dma_wait3A_130 = arith.constant 0 : i32
    %dma_wait3A_131 = arith.constant 0 : i32
    %dma_wait3A_132 = tpu.memref_slice %arg5[%dma_wait3A_130, %dma_wait3A_131] : memref<8192x128xf32, #tpu.memory_space<vmem_shared>> -> memref<80x128xf32, #tpu.memory_space<vmem_shared>>
    %dma_wait3A_133 = arith.constant 0 : i32
    %dma_wait3A_134 = arith.constant 0 : i32
    %dma_wait3A_135 = tpu.memref_slice %arg5[%dma_wait3A_133, %dma_wait3A_134] : memref<8192x128xf32, #tpu.memory_space<vmem_shared>> -> memref<80x128xf32, #tpu.memory_space<vmem_shared>>
    tpu.wait_dma2 semaphore(%arg16 : memref<!tpu.dma_semaphore, #tpu.memory_space<semaphore_mem>>) src(%dma_wait3A_135 : memref<80x128xf32, #tpu.memory_space<vmem_shared>>) dst(%arg11 : memref<80x128xf32, #tpu.memory_space<vmem>>)
    %add3A_136 = arith.constant 4 : i32
    %add3A_137 = arith.addi %mul3A_2, %add3A_136 : i32
    %mul3A_138 = arith.constant 80 : i32
    %mul3A_139 = arith.muli %add3A_137, %mul3A_138 : i32
    %dma_start3A_140 = arith.constant 0 : i32
    %dma_start3A_141 = tpu.memref_slice %arg4[%mul3A_139, %dma_start3A_140] : memref<204800x128xf32, #tpu.memory_space<hbm>> -> memref<80x128xf32, #tpu.memory_space<hbm>>
    %dma_start3A_142 = arith.constant 0 : i32
    %dma_start3A_143 = tpu.memref_slice %arg4[%mul3A_139, %dma_start3A_142] : memref<204800x128xf32, #tpu.memory_space<hbm>> -> memref<80x128xf32, #tpu.memory_space<hbm>>
    tpu.enqueue_dma source(%arg11 : memref<80x128xf32, #tpu.memory_space<vmem>>) target(%dma_start3A_143 : memref<80x128xf32, #tpu.memory_space<hbm>>) target_semaphore(%arg21 : memref<!tpu.dma_semaphore, #tpu.memory_space<semaphore_mem>>)
    %scan3A = arith.constant 0 : i32
    %scan3A_144 = arith.constant 14 : i32
    %scan3A_145 = arith.addi %scan3A, %scan3A_144 : i32
    %scan3A_146 = arith.constant 1 : i32
    scf.for %scan3A_287 = %scan3A to %scan3A_145 step %scan3A_146  : i32 {
      %mul3A_288 = arith.constant 1 : i32
      %mul3A_289 = arith.muli %scan3A_287, %mul3A_288 : i32
      %add3A_290 = arith.constant 1 : i32
      %add3A_291 = arith.addi %add3A_290, %mul3A_289 : i32
      %mul3A_292 = arith.constant 5 : i32
      %mul3A_293 = arith.muli %add3A_291, %mul3A_292 : i32
      %dma_wait3A_294 = arith.constant 0 : i32
      %dma_wait3A_295 = arith.constant 0 : i32
      %dma_wait3A_296 = tpu.memref_slice %arg4[%dma_wait3A_294, %dma_wait3A_295] : memref<204800x128xf32, #tpu.memory_space<hbm>> -> memref<80x128xf32, #tpu.memory_space<hbm>>
      %dma_wait3A_297 = arith.constant 0 : i32
      %dma_wait3A_298 = arith.constant 0 : i32
      %dma_wait3A_299 = tpu.memref_slice %arg4[%dma_wait3A_297, %dma_wait3A_298] : memref<204800x128xf32, #tpu.memory_space<hbm>> -> memref<80x128xf32, #tpu.memory_space<hbm>>
      tpu.wait_dma2 semaphore(%arg19 : memref<!tpu.dma_semaphore, #tpu.memory_space<semaphore_mem>>) src(%arg9 : memref<80x128xf32, #tpu.memory_space<vmem>>) dst(%dma_wait3A_299 : memref<80x128xf32, #tpu.memory_space<hbm>>)
      %add3A_300 = arith.constant 0 : i32
      %add3A_301 = arith.addi %mul3A_293, %add3A_300 : i32
      %add3A_302 = arith.constant 2 : i32
      %add3A_303 = arith.addi %add3A_301, %add3A_302 : i32
      %dma_start3A_304 = arith.constant 0 : i32
      %dma_start3A_305 = tpu.memref_slice %arg6[%add3A_303, %dma_start3A_304] : memref<80x80xi32, #tpu.memory_space<vmem>> -> memref<1x80xi32, #tpu.memory_space<vmem>>
      %dma_start3A_306 = tpu.memref_squeeze %dma_start3A_305 : memref<1x80xi32, #tpu.memory_space<vmem>> -> memref<80xi32, #tpu.memory_space<vmem>>
      %dma_start3A_307 = arith.constant 0 : i32
      %dma_start3A_308 = arith.constant 0 : i32
      %dma_start3A_309 = tpu.memref_slice %arg5[%dma_start3A_307, %dma_start3A_308] : memref<8192x128xf32, #tpu.memory_space<vmem_shared>> -> memref<8192x128xf32, #tpu.memory_space<vmem_shared>>
      tpu.enqueue_indirect_dma source(%dma_start3A_309 : memref<8192x128xf32, #tpu.memory_space<vmem_shared>>) target(%arg9 : memref<80x128xf32, #tpu.memory_space<vmem>>) offsets(%dma_start3A_306 : memref<80xi32, #tpu.memory_space<vmem>>) semaphore(%arg14 : memref<!tpu.dma_semaphore, #tpu.memory_space<semaphore_mem>>)
      %dma_wait3A_310 = arith.constant 0 : i32
      %dma_wait3A_311 = arith.constant 0 : i32
      %dma_wait3A_312 = tpu.memref_slice %arg5[%dma_wait3A_310, %dma_wait3A_311] : memref<8192x128xf32, #tpu.memory_space<vmem_shared>> -> memref<80x128xf32, #tpu.memory_space<vmem_shared>>
      %dma_wait3A_313 = arith.constant 0 : i32
      %dma_wait3A_314 = arith.constant 0 : i32
      %dma_wait3A_315 = tpu.memref_slice %arg5[%dma_wait3A_313, %dma_wait3A_314] : memref<8192x128xf32, #tpu.memory_space<vmem_shared>> -> memref<80x128xf32, #tpu.memory_space<vmem_shared>>
      tpu.wait_dma2 semaphore(%arg12 : memref<!tpu.dma_semaphore, #tpu.memory_space<semaphore_mem>>) src(%dma_wait3A_315 : memref<80x128xf32, #tpu.memory_space<vmem_shared>>) dst(%arg7 : memref<80x128xf32, #tpu.memory_space<vmem>>)
      %add3A_316 = arith.constant 0 : i32
      %add3A_317 = arith.addi %mul3A_293, %add3A_316 : i32
      %add3A_318 = arith.addi %mul3A_2, %add3A_317 : i32
      %mul3A_319 = arith.constant 80 : i32
      %mul3A_320 = arith.muli %add3A_318, %mul3A_319 : i32
      %dma_start3A_321 = arith.constant 0 : i32
      %dma_start3A_322 = tpu.memref_slice %arg4[%mul3A_320, %dma_start3A_321] : memref<204800x128xf32, #tpu.memory_space<hbm>> -> memref<80x128xf32, #tpu.memory_space<hbm>>
      %dma_start3A_323 = arith.constant 0 : i32
      %dma_start3A_324 = tpu.memref_slice %arg4[%mul3A_320, %dma_start3A_323] : memref<204800x128xf32, #tpu.memory_space<hbm>> -> memref<80x128xf32, #tpu.memory_space<hbm>>
      tpu.enqueue_dma source(%arg7 : memref<80x128xf32, #tpu.memory_space<vmem>>) target(%dma_start3A_324 : memref<80x128xf32, #tpu.memory_space<hbm>>) target_semaphore(%arg17 : memref<!tpu.dma_semaphore, #tpu.memory_space<semaphore_mem>>)
      %dma_wait3A_325 = arith.constant 0 : i32
      %dma_wait3A_326 = arith.constant 0 : i32
      %dma_wait3A_327 = tpu.memref_slice %arg4[%dma_wait3A_325, %dma_wait3A_326] : memref<204800x128xf32, #tpu.memory_space<hbm>> -> memref<80x128xf32, #tpu.memory_space<hbm>>
      %dma_wait3A_328 = arith.constant 0 : i32
      %dma_wait3A_329 = arith.constant 0 : i32
      %dma_wait3A_330 = tpu.memref_slice %arg4[%dma_wait3A_328, %dma_wait3A_329] : memref<204800x128xf32, #tpu.memory_space<hbm>> -> memref<80x128xf32, #tpu.memory_space<hbm>>
      tpu.wait_dma2 semaphore(%arg20 : memref<!tpu.dma_semaphore, #tpu.memory_space<semaphore_mem>>) src(%arg10 : memref<80x128xf32, #tpu.memory_space<vmem>>) dst(%dma_wait3A_330 : memref<80x128xf32, #tpu.memory_space<hbm>>)
      %add3A_331 = arith.constant 1 : i32
      %add3A_332 = arith.addi %mul3A_293, %add3A_331 : i32
      %add3A_333 = arith.constant 2 : i32
      %add3A_334 = arith.addi %add3A_332, %add3A_333 : i32
      %dma_start3A_335 = arith.constant 0 : i32
      %dma_start3A_336 = tpu.memref_slice %arg6[%add3A_334, %dma_start3A_335] : memref<80x80xi32, #tpu.memory_space<vmem>> -> memref<1x80xi32, #tpu.memory_space<vmem>>
      %dma_start3A_337 = tpu.memref_squeeze %dma_start3A_336 : memref<1x80xi32, #tpu.memory_space<vmem>> -> memref<80xi32, #tpu.memory_space<vmem>>
      %dma_start3A_338 = arith.constant 0 : i32
      %dma_start3A_339 = arith.constant 0 : i32
      %dma_start3A_340 = tpu.memref_slice %arg5[%dma_start3A_338, %dma_start3A_339] : memref<8192x128xf32, #tpu.memory_space<vmem_shared>> -> memref<8192x128xf32, #tpu.memory_space<vmem_shared>>
      tpu.enqueue_indirect_dma source(%dma_start3A_340 : memref<8192x128xf32, #tpu.memory_space<vmem_shared>>) target(%arg10 : memref<80x128xf32, #tpu.memory_space<vmem>>) offsets(%dma_start3A_337 : memref<80xi32, #tpu.memory_space<vmem>>) semaphore(%arg15 : memref<!tpu.dma_semaphore, #tpu.memory_space<semaphore_mem>>)
      %dma_wait3A_341 = arith.constant 0 : i32
      %dma_wait3A_342 = arith.constant 0 : i32
      %dma_wait3A_343 = tpu.memref_slice %arg5[%dma_wait3A_341, %dma_wait3A_342] : memref<8192x128xf32, #tpu.memory_space<vmem_shared>> -> memref<80x128xf32, #tpu.memory_space<vmem_shared>>
      %dma_wait3A_344 = arith.constant 0 : i32
      %dma_wait3A_345 = arith.constant 0 : i32
      %dma_wait3A_346 = tpu.memref_slice %arg5[%dma_wait3A_344, %dma_wait3A_345] : memref<8192x128xf32, #tpu.memory_space<vmem_shared>> -> memref<80x128xf32, #tpu.memory_space<vmem_shared>>
      tpu.wait_dma2 semaphore(%arg13 : memref<!tpu.dma_semaphore, #tpu.memory_space<semaphore_mem>>) src(%dma_wait3A_346 : memref<80x128xf32, #tpu.memory_space<vmem_shared>>) dst(%arg8 : memref<80x128xf32, #tpu.memory_space<vmem>>)
      %add3A_347 = arith.constant 1 : i32
      %add3A_348 = arith.addi %mul3A_293, %add3A_347 : i32
      %add3A_349 = arith.addi %mul3A_2, %add3A_348 : i32
      %mul3A_350 = arith.constant 80 : i32
      %mul3A_351 = arith.muli %add3A_349, %mul3A_350 : i32
      %dma_start3A_352 = arith.constant 0 : i32
      %dma_start3A_353 = tpu.memref_slice %arg4[%mul3A_351, %dma_start3A_352] : memref<204800x128xf32, #tpu.memory_space<hbm>> -> memref<80x128xf32, #tpu.memory_space<hbm>>
      %dma_start3A_354 = arith.constant 0 : i32
      %dma_start3A_355 = tpu.memref_slice %arg4[%mul3A_351, %dma_start3A_354] : memref<204800x128xf32, #tpu.memory_space<hbm>> -> memref<80x128xf32, #tpu.memory_space<hbm>>
      tpu.enqueue_dma source(%arg8 : memref<80x128xf32, #tpu.memory_space<vmem>>) target(%dma_start3A_355 : memref<80x128xf32, #tpu.memory_space<hbm>>) target_semaphore(%arg18 : memref<!tpu.dma_semaphore, #tpu.memory_space<semaphore_mem>>)
      %dma_wait3A_356 = arith.constant 0 : i32
      %dma_wait3A_357 = arith.constant 0 : i32
      %dma_wait3A_358 = tpu.memref_slice %arg4[%dma_wait3A_356, %dma_wait3A_357] : memref<204800x128xf32, #tpu.memory_space<hbm>> -> memref<80x128xf32, #tpu.memory_space<hbm>>
      %dma_wait3A_359 = arith.constant 0 : i32
      %dma_wait3A_360 = arith.constant 0 : i32
      %dma_wait3A_361 = tpu.memref_slice %arg4[%dma_wait3A_359, %dma_wait3A_360] : memref<204800x128xf32, #tpu.memory_space<hbm>> -> memref<80x128xf32, #tpu.memory_space<hbm>>
      tpu.wait_dma2 semaphore(%arg21 : memref<!tpu.dma_semaphore, #tpu.memory_space<semaphore_mem>>) src(%arg11 : memref<80x128xf32, #tpu.memory_space<vmem>>) dst(%dma_wait3A_361 : memref<80x128xf32, #tpu.memory_space<hbm>>)
      %add3A_362 = arith.constant 2 : i32
      %add3A_363 = arith.addi %mul3A_293, %add3A_362 : i32
      %add3A_364 = arith.constant 2 : i32
      %add3A_365 = arith.addi %add3A_363, %add3A_364 : i32
      %dma_start3A_366 = arith.constant 0 : i32
      %dma_start3A_367 = tpu.memref_slice %arg6[%add3A_365, %dma_start3A_366] : memref<80x80xi32, #tpu.memory_space<vmem>> -> memref<1x80xi32, #tpu.memory_space<vmem>>
      %dma_start3A_368 = tpu.memref_squeeze %dma_start3A_367 : memref<1x80xi32, #tpu.memory_space<vmem>> -> memref<80xi32, #tpu.memory_space<vmem>>
      %dma_start3A_369 = arith.constant 0 : i32
      %dma_start3A_370 = arith.constant 0 : i32
      %dma_start3A_371 = tpu.memref_slice %arg5[%dma_start3A_369, %dma_start3A_370] : memref<8192x128xf32, #tpu.memory_space<vmem_shared>> -> memref<8192x128xf32, #tpu.memory_space<vmem_shared>>
      tpu.enqueue_indirect_dma source(%dma_start3A_371 : memref<8192x128xf32, #tpu.memory_space<vmem_shared>>) target(%arg11 : memref<80x128xf32, #tpu.memory_space<vmem>>) offsets(%dma_start3A_368 : memref<80xi32, #tpu.memory_space<vmem>>) semaphore(%arg16 : memref<!tpu.dma_semaphore, #tpu.memory_space<semaphore_mem>>)
      %dma_wait3A_372 = arith.constant 0 : i32
      %dma_wait3A_373 = arith.constant 0 : i32
      %dma_wait3A_374 = tpu.memref_slice %arg5[%dma_wait3A_372, %dma_wait3A_373] : memref<8192x128xf32, #tpu.memory_space<vmem_shared>> -> memref<80x128xf32, #tpu.memory_space<vmem_shared>>
      %dma_wait3A_375 = arith.constant 0 : i32
      %dma_wait3A_376 = arith.constant 0 : i32
      %dma_wait3A_377 = tpu.memref_slice %arg5[%dma_wait3A_375, %dma_wait3A_376] : memref<8192x128xf32, #tpu.memory_space<vmem_shared>> -> memref<80x128xf32, #tpu.memory_space<vmem_shared>>
      tpu.wait_dma2 semaphore(%arg14 : memref<!tpu.dma_semaphore, #tpu.memory_space<semaphore_mem>>) src(%dma_wait3A_377 : memref<80x128xf32, #tpu.memory_space<vmem_shared>>) dst(%arg9 : memref<80x128xf32, #tpu.memory_space<vmem>>)
      %add3A_378 = arith.constant 2 : i32
      %add3A_379 = arith.addi %mul3A_293, %add3A_378 : i32
      %add3A_380 = arith.addi %mul3A_2, %add3A_379 : i32
      %mul3A_381 = arith.constant 80 : i32
      %mul3A_382 = arith.muli %add3A_380, %mul3A_381 : i32
      %dma_start3A_383 = arith.constant 0 : i32
      %dma_start3A_384 = tpu.memref_slice %arg4[%mul3A_382, %dma_start3A_383] : memref<204800x128xf32, #tpu.memory_space<hbm>> -> memref<80x128xf32, #tpu.memory_space<hbm>>
      %dma_start3A_385 = arith.constant 0 : i32
      %dma_start3A_386 = tpu.memref_slice %arg4[%mul3A_382, %dma_start3A_385] : memref<204800x128xf32, #tpu.memory_space<hbm>> -> memref<80x128xf32, #tpu.memory_space<hbm>>
      tpu.enqueue_dma source(%arg9 : memref<80x128xf32, #tpu.memory_space<vmem>>) target(%dma_start3A_386 : memref<80x128xf32, #tpu.memory_space<hbm>>) target_semaphore(%arg19 : memref<!tpu.dma_semaphore, #tpu.memory_space<semaphore_mem>>)
      %dma_wait3A_387 = arith.constant 0 : i32
      %dma_wait3A_388 = arith.constant 0 : i32
      %dma_wait3A_389 = tpu.memref_slice %arg4[%dma_wait3A_387, %dma_wait3A_388] : memref<204800x128xf32, #tpu.memory_space<hbm>> -> memref<80x128xf32, #tpu.memory_space<hbm>>
      %dma_wait3A_390 = arith.constant 0 : i32
      %dma_wait3A_391 = arith.constant 0 : i32
      %dma_wait3A_392 = tpu.memref_slice %arg4[%dma_wait3A_390, %dma_wait3A_391] : memref<204800x128xf32, #tpu.memory_space<hbm>> -> memref<80x128xf32, #tpu.memory_space<hbm>>
      tpu.wait_dma2 semaphore(%arg17 : memref<!tpu.dma_semaphore, #tpu.memory_space<semaphore_mem>>) src(%arg7 : memref<80x128xf32, #tpu.memory_space<vmem>>) dst(%dma_wait3A_392 : memref<80x128xf32, #tpu.memory_space<hbm>>)
      %add3A_393 = arith.constant 3 : i32
      %add3A_394 = arith.addi %mul3A_293, %add3A_393 : i32
      %add3A_395 = arith.constant 2 : i32
      %add3A_396 = arith.addi %add3A_394, %add3A_395 : i32
      %dma_start3A_397 = arith.constant 0 : i32
      %dma_start3A_398 = tpu.memref_slice %arg6[%add3A_396, %dma_start3A_397] : memref<80x80xi32, #tpu.memory_space<vmem>> -> memref<1x80xi32, #tpu.memory_space<vmem>>
      %dma_start3A_399 = tpu.memref_squeeze %dma_start3A_398 : memref<1x80xi32, #tpu.memory_space<vmem>> -> memref<80xi32, #tpu.memory_space<vmem>>
      %dma_start3A_400 = arith.constant 0 : i32
      %dma_start3A_401 = arith.constant 0 : i32
      %dma_start3A_402 = tpu.memref_slice %arg5[%dma_start3A_400, %dma_start3A_401] : memref<8192x128xf32, #tpu.memory_space<vmem_shared>> -> memref<8192x128xf32, #tpu.memory_space<vmem_shared>>
      tpu.enqueue_indirect_dma source(%dma_start3A_402 : memref<8192x128xf32, #tpu.memory_space<vmem_shared>>) target(%arg7 : memref<80x128xf32, #tpu.memory_space<vmem>>) offsets(%dma_start3A_399 : memref<80xi32, #tpu.memory_space<vmem>>) semaphore(%arg12 : memref<!tpu.dma_semaphore, #tpu.memory_space<semaphore_mem>>)
      %dma_wait3A_403 = arith.constant 0 : i32
      %dma_wait3A_404 = arith.constant 0 : i32
      %dma_wait3A_405 = tpu.memref_slice %arg5[%dma_wait3A_403, %dma_wait3A_404] : memref<8192x128xf32, #tpu.memory_space<vmem_shared>> -> memref<80x128xf32, #tpu.memory_space<vmem_shared>>
      %dma_wait3A_406 = arith.constant 0 : i32
      %dma_wait3A_407 = arith.constant 0 : i32
      %dma_wait3A_408 = tpu.memref_slice %arg5[%dma_wait3A_406, %dma_wait3A_407] : memref<8192x128xf32, #tpu.memory_space<vmem_shared>> -> memref<80x128xf32, #tpu.memory_space<vmem_shared>>
      tpu.wait_dma2 semaphore(%arg15 : memref<!tpu.dma_semaphore, #tpu.memory_space<semaphore_mem>>) src(%dma_wait3A_408 : memref<80x128xf32, #tpu.memory_space<vmem_shared>>) dst(%arg10 : memref<80x128xf32, #tpu.memory_space<vmem>>)
      %add3A_409 = arith.constant 3 : i32
      %add3A_410 = arith.addi %mul3A_293, %add3A_409 : i32
      %add3A_411 = arith.addi %mul3A_2, %add3A_410 : i32
      %mul3A_412 = arith.constant 80 : i32
      %mul3A_413 = arith.muli %add3A_411, %mul3A_412 : i32
      %dma_start3A_414 = arith.constant 0 : i32
      %dma_start3A_415 = tpu.memref_slice %arg4[%mul3A_413, %dma_start3A_414] : memref<204800x128xf32, #tpu.memory_space<hbm>> -> memref<80x128xf32, #tpu.memory_space<hbm>>
      %dma_start3A_416 = arith.constant 0 : i32
      %dma_start3A_417 = tpu.memref_slice %arg4[%mul3A_413, %dma_start3A_416] : memref<204800x128xf32, #tpu.memory_space<hbm>> -> memref<80x128xf32, #tpu.memory_space<hbm>>
      tpu.enqueue_dma source(%arg10 : memref<80x128xf32, #tpu.memory_space<vmem>>) target(%dma_start3A_417 : memref<80x128xf32, #tpu.memory_space<hbm>>) target_semaphore(%arg20 : memref<!tpu.dma_semaphore, #tpu.memory_space<semaphore_mem>>)
      %dma_wait3A_418 = arith.constant 0 : i32
      %dma_wait3A_419 = arith.constant 0 : i32
      %dma_wait3A_420 = tpu.memref_slice %arg4[%dma_wait3A_418, %dma_wait3A_419] : memref<204800x128xf32, #tpu.memory_space<hbm>> -> memref<80x128xf32, #tpu.memory_space<hbm>>
      %dma_wait3A_421 = arith.constant 0 : i32
      %dma_wait3A_422 = arith.constant 0 : i32
      %dma_wait3A_423 = tpu.memref_slice %arg4[%dma_wait3A_421, %dma_wait3A_422] : memref<204800x128xf32, #tpu.memory_space<hbm>> -> memref<80x128xf32, #tpu.memory_space<hbm>>
      tpu.wait_dma2 semaphore(%arg18 : memref<!tpu.dma_semaphore, #tpu.memory_space<semaphore_mem>>) src(%arg8 : memref<80x128xf32, #tpu.memory_space<vmem>>) dst(%dma_wait3A_423 : memref<80x128xf32, #tpu.memory_space<hbm>>)
      %add3A_424 = arith.constant 4 : i32
      %add3A_425 = arith.addi %mul3A_293, %add3A_424 : i32
      %add3A_426 = arith.constant 2 : i32
      %add3A_427 = arith.addi %add3A_425, %add3A_426 : i32
      %dma_start3A_428 = arith.constant 0 : i32
      %dma_start3A_429 = tpu.memref_slice %arg6[%add3A_427, %dma_start3A_428] : memref<80x80xi32, #tpu.memory_space<vmem>> -> memref<1x80xi32, #tpu.memory_space<vmem>>
      %dma_start3A_430 = tpu.memref_squeeze %dma_start3A_429 : memref<1x80xi32, #tpu.memory_space<vmem>> -> memref<80xi32, #tpu.memory_space<vmem>>
      %dma_start3A_431 = arith.constant 0 : i32
      %dma_start3A_432 = arith.constant 0 : i32
      %dma_start3A_433 = tpu.memref_slice %arg5[%dma_start3A_431, %dma_start3A_432] : memref<8192x128xf32, #tpu.memory_space<vmem_shared>> -> memref<8192x128xf32, #tpu.memory_space<vmem_shared>>
      tpu.enqueue_indirect_dma source(%dma_start3A_433 : memref<8192x128xf32, #tpu.memory_space<vmem_shared>>) target(%arg8 : memref<80x128xf32, #tpu.memory_space<vmem>>) offsets(%dma_start3A_430 : memref<80xi32, #tpu.memory_space<vmem>>) semaphore(%arg13 : memref<!tpu.dma_semaphore, #tpu.memory_space<semaphore_mem>>)
      %dma_wait3A_434 = arith.constant 0 : i32
      %dma_wait3A_435 = arith.constant 0 : i32
      %dma_wait3A_436 = tpu.memref_slice %arg5[%dma_wait3A_434, %dma_wait3A_435] : memref<8192x128xf32, #tpu.memory_space<vmem_shared>> -> memref<80x128xf32, #tpu.memory_space<vmem_shared>>
      %dma_wait3A_437 = arith.constant 0 : i32
      %dma_wait3A_438 = arith.constant 0 : i32
      %dma_wait3A_439 = tpu.memref_slice %arg5[%dma_wait3A_437, %dma_wait3A_438] : memref<8192x128xf32, #tpu.memory_space<vmem_shared>> -> memref<80x128xf32, #tpu.memory_space<vmem_shared>>
      tpu.wait_dma2 semaphore(%arg16 : memref<!tpu.dma_semaphore, #tpu.memory_space<semaphore_mem>>) src(%dma_wait3A_439 : memref<80x128xf32, #tpu.memory_space<vmem_shared>>) dst(%arg11 : memref<80x128xf32, #tpu.memory_space<vmem>>)
      %add3A_440 = arith.constant 4 : i32
      %add3A_441 = arith.addi %mul3A_293, %add3A_440 : i32
      %add3A_442 = arith.addi %mul3A_2, %add3A_441 : i32
      %mul3A_443 = arith.constant 80 : i32
      %mul3A_444 = arith.muli %add3A_442, %mul3A_443 : i32
      %dma_start3A_445 = arith.constant 0 : i32
      %dma_start3A_446 = tpu.memref_slice %arg4[%mul3A_444, %dma_start3A_445] : memref<204800x128xf32, #tpu.memory_space<hbm>> -> memref<80x128xf32, #tpu.memory_space<hbm>>
      %dma_start3A_447 = arith.constant 0 : i32
      %dma_start3A_448 = tpu.memref_slice %arg4[%mul3A_444, %dma_start3A_447] : memref<204800x128xf32, #tpu.memory_space<hbm>> -> memref<80x128xf32, #tpu.memory_space<hbm>>
      tpu.enqueue_dma source(%arg11 : memref<80x128xf32, #tpu.memory_space<vmem>>) target(%dma_start3A_448 : memref<80x128xf32, #tpu.memory_space<hbm>>) target_semaphore(%arg21 : memref<!tpu.dma_semaphore, #tpu.memory_space<semaphore_mem>>)
    }
    %scan3A_147 = arith.constant 14 : i32
    %dma_wait3A_148 = arith.constant 0 : i32
    %dma_wait3A_149 = arith.constant 0 : i32
    %dma_wait3A_150 = tpu.memref_slice %arg4[%dma_wait3A_148, %dma_wait3A_149] : memref<204800x128xf32, #tpu.memory_space<hbm>> -> memref<80x128xf32, #tpu.memory_space<hbm>>
    %dma_wait3A_151 = arith.constant 0 : i32
    %dma_wait3A_152 = arith.constant 0 : i32
    %dma_wait3A_153 = tpu.memref_slice %arg4[%dma_wait3A_151, %dma_wait3A_152] : memref<204800x128xf32, #tpu.memory_space<hbm>> -> memref<80x128xf32, #tpu.memory_space<hbm>>
    tpu.wait_dma2 semaphore(%arg19 : memref<!tpu.dma_semaphore, #tpu.memory_space<semaphore_mem>>) src(%arg9 : memref<80x128xf32, #tpu.memory_space<vmem>>) dst(%dma_wait3A_153 : memref<80x128xf32, #tpu.memory_space<hbm>>)
    %dma_start3A_154 = arith.constant 77 : i32
    %dma_start3A_155 = arith.constant 0 : i32
    %dma_start3A_156 = tpu.memref_slice %arg6[%dma_start3A_154, %dma_start3A_155] : memref<80x80xi32, #tpu.memory_space<vmem>> -> memref<1x80xi32, #tpu.memory_space<vmem>>
    %dma_start3A_157 = tpu.memref_squeeze %dma_start3A_156 : memref<1x80xi32, #tpu.memory_space<vmem>> -> memref<80xi32, #tpu.memory_space<vmem>>
    %dma_start3A_158 = arith.constant 0 : i32
    %dma_start3A_159 = arith.constant 0 : i32
    %dma_start3A_160 = tpu.memref_slice %arg5[%dma_start3A_158, %dma_start3A_159] : memref<8192x128xf32, #tpu.memory_space<vmem_shared>> -> memref<8192x128xf32, #tpu.memory_space<vmem_shared>>
    tpu.enqueue_indirect_dma source(%dma_start3A_160 : memref<8192x128xf32, #tpu.memory_space<vmem_shared>>) target(%arg9 : memref<80x128xf32, #tpu.memory_space<vmem>>) offsets(%dma_start3A_157 : memref<80xi32, #tpu.memory_space<vmem>>) semaphore(%arg14 : memref<!tpu.dma_semaphore, #tpu.memory_space<semaphore_mem>>)
    %dma_wait3A_161 = arith.constant 0 : i32
    %dma_wait3A_162 = arith.constant 0 : i32
    %dma_wait3A_163 = tpu.memref_slice %arg5[%dma_wait3A_161, %dma_wait3A_162] : memref<8192x128xf32, #tpu.memory_space<vmem_shared>> -> memref<80x128xf32, #tpu.memory_space<vmem_shared>>
    %dma_wait3A_164 = arith.constant 0 : i32
    %dma_wait3A_165 = arith.constant 0 : i32
    %dma_wait3A_166 = tpu.memref_slice %arg5[%dma_wait3A_164, %dma_wait3A_165] : memref<8192x128xf32, #tpu.memory_space<vmem_shared>> -> memref<80x128xf32, #tpu.memory_space<vmem_shared>>
    tpu.wait_dma2 semaphore(%arg12 : memref<!tpu.dma_semaphore, #tpu.memory_space<semaphore_mem>>) src(%dma_wait3A_166 : memref<80x128xf32, #tpu.memory_space<vmem_shared>>) dst(%arg7 : memref<80x128xf32, #tpu.memory_space<vmem>>)
    %add3A_167 = arith.constant 75 : i32
    %add3A_168 = arith.addi %mul3A_2, %add3A_167 : i32
    %mul3A_169 = arith.constant 80 : i32
    %mul3A_170 = arith.muli %add3A_168, %mul3A_169 : i32
    %dma_start3A_171 = arith.constant 0 : i32
    %dma_start3A_172 = tpu.memref_slice %arg4[%mul3A_170, %dma_start3A_171] : memref<204800x128xf32, #tpu.memory_space<hbm>> -> memref<80x128xf32, #tpu.memory_space<hbm>>
    %dma_start3A_173 = arith.constant 0 : i32
    %dma_start3A_174 = tpu.memref_slice %arg4[%mul3A_170, %dma_start3A_173] : memref<204800x128xf32, #tpu.memory_space<hbm>> -> memref<80x128xf32, #tpu.memory_space<hbm>>
    tpu.enqueue_dma source(%arg7 : memref<80x128xf32, #tpu.memory_space<vmem>>) target(%dma_start3A_174 : memref<80x128xf32, #tpu.memory_space<hbm>>) target_semaphore(%arg17 : memref<!tpu.dma_semaphore, #tpu.memory_space<semaphore_mem>>)
    %dma_wait3A_175 = arith.constant 0 : i32
    %dma_wait3A_176 = arith.constant 0 : i32
    %dma_wait3A_177 = tpu.memref_slice %arg4[%dma_wait3A_175, %dma_wait3A_176] : memref<204800x128xf32, #tpu.memory_space<hbm>> -> memref<80x128xf32, #tpu.memory_space<hbm>>
    %dma_wait3A_178 = arith.constant 0 : i32
    %dma_wait3A_179 = arith.constant 0 : i32
    %dma_wait3A_180 = tpu.memref_slice %arg4[%dma_wait3A_178, %dma_wait3A_179] : memref<204800x128xf32, #tpu.memory_space<hbm>> -> memref<80x128xf32, #tpu.memory_space<hbm>>
    tpu.wait_dma2 semaphore(%arg20 : memref<!tpu.dma_semaphore, #tpu.memory_space<semaphore_mem>>) src(%arg10 : memref<80x128xf32, #tpu.memory_space<vmem>>) dst(%dma_wait3A_180 : memref<80x128xf32, #tpu.memory_space<hbm>>)
    %dma_start3A_181 = arith.constant 78 : i32
    %dma_start3A_182 = arith.constant 0 : i32
    %dma_start3A_183 = tpu.memref_slice %arg6[%dma_start3A_181, %dma_start3A_182] : memref<80x80xi32, #tpu.memory_space<vmem>> -> memref<1x80xi32, #tpu.memory_space<vmem>>
    %dma_start3A_184 = tpu.memref_squeeze %dma_start3A_183 : memref<1x80xi32, #tpu.memory_space<vmem>> -> memref<80xi32, #tpu.memory_space<vmem>>
    %dma_start3A_185 = arith.constant 0 : i32
    %dma_start3A_186 = arith.constant 0 : i32
    %dma_start3A_187 = tpu.memref_slice %arg5[%dma_start3A_185, %dma_start3A_186] : memref<8192x128xf32, #tpu.memory_space<vmem_shared>> -> memref<8192x128xf32, #tpu.memory_space<vmem_shared>>
    tpu.enqueue_indirect_dma source(%dma_start3A_187 : memref<8192x128xf32, #tpu.memory_space<vmem_shared>>) target(%arg10 : memref<80x128xf32, #tpu.memory_space<vmem>>) offsets(%dma_start3A_184 : memref<80xi32, #tpu.memory_space<vmem>>) semaphore(%arg15 : memref<!tpu.dma_semaphore, #tpu.memory_space<semaphore_mem>>)
    %dma_wait3A_188 = arith.constant 0 : i32
    %dma_wait3A_189 = arith.constant 0 : i32
    %dma_wait3A_190 = tpu.memref_slice %arg5[%dma_wait3A_188, %dma_wait3A_189] : memref<8192x128xf32, #tpu.memory_space<vmem_shared>> -> memref<80x128xf32, #tpu.memory_space<vmem_shared>>
    %dma_wait3A_191 = arith.constant 0 : i32
    %dma_wait3A_192 = arith.constant 0 : i32
    %dma_wait3A_193 = tpu.memref_slice %arg5[%dma_wait3A_191, %dma_wait3A_192] : memref<8192x128xf32, #tpu.memory_space<vmem_shared>> -> memref<80x128xf32, #tpu.memory_space<vmem_shared>>
    tpu.wait_dma2 semaphore(%arg13 : memref<!tpu.dma_semaphore, #tpu.memory_space<semaphore_mem>>) src(%dma_wait3A_193 : memref<80x128xf32, #tpu.memory_space<vmem_shared>>) dst(%arg8 : memref<80x128xf32, #tpu.memory_space<vmem>>)
    %add3A_194 = arith.constant 76 : i32
    %add3A_195 = arith.addi %mul3A_2, %add3A_194 : i32
    %mul3A_196 = arith.constant 80 : i32
    %mul3A_197 = arith.muli %add3A_195, %mul3A_196 : i32
    %dma_start3A_198 = arith.constant 0 : i32
    %dma_start3A_199 = tpu.memref_slice %arg4[%mul3A_197, %dma_start3A_198] : memref<204800x128xf32, #tpu.memory_space<hbm>> -> memref<80x128xf32, #tpu.memory_space<hbm>>
    %dma_start3A_200 = arith.constant 0 : i32
    %dma_start3A_201 = tpu.memref_slice %arg4[%mul3A_197, %dma_start3A_200] : memref<204800x128xf32, #tpu.memory_space<hbm>> -> memref<80x128xf32, #tpu.memory_space<hbm>>
    tpu.enqueue_dma source(%arg8 : memref<80x128xf32, #tpu.memory_space<vmem>>) target(%dma_start3A_201 : memref<80x128xf32, #tpu.memory_space<hbm>>) target_semaphore(%arg18 : memref<!tpu.dma_semaphore, #tpu.memory_space<semaphore_mem>>)
    %dma_wait3A_202 = arith.constant 0 : i32
    %dma_wait3A_203 = arith.constant 0 : i32
    %dma_wait3A_204 = tpu.memref_slice %arg4[%dma_wait3A_202, %dma_wait3A_203] : memref<204800x128xf32, #tpu.memory_space<hbm>> -> memref<80x128xf32, #tpu.memory_space<hbm>>
    %dma_wait3A_205 = arith.constant 0 : i32
    %dma_wait3A_206 = arith.constant 0 : i32
    %dma_wait3A_207 = tpu.memref_slice %arg4[%dma_wait3A_205, %dma_wait3A_206] : memref<204800x128xf32, #tpu.memory_space<hbm>> -> memref<80x128xf32, #tpu.memory_space<hbm>>
    tpu.wait_dma2 semaphore(%arg21 : memref<!tpu.dma_semaphore, #tpu.memory_space<semaphore_mem>>) src(%arg11 : memref<80x128xf32, #tpu.memory_space<vmem>>) dst(%dma_wait3A_207 : memref<80x128xf32, #tpu.memory_space<hbm>>)
    %dma_start3A_208 = arith.constant 79 : i32
    %dma_start3A_209 = arith.constant 0 : i32
    %dma_start3A_210 = tpu.memref_slice %arg6[%dma_start3A_208, %dma_start3A_209] : memref<80x80xi32, #tpu.memory_space<vmem>> -> memref<1x80xi32, #tpu.memory_space<vmem>>
    %dma_start3A_211 = tpu.memref_squeeze %dma_start3A_210 : memref<1x80xi32, #tpu.memory_space<vmem>> -> memref<80xi32, #tpu.memory_space<vmem>>
    %dma_start3A_212 = arith.constant 0 : i32
    %dma_start3A_213 = arith.constant 0 : i32
    %dma_start3A_214 = tpu.memref_slice %arg5[%dma_start3A_212, %dma_start3A_213] : memref<8192x128xf32, #tpu.memory_space<vmem_shared>> -> memref<8192x128xf32, #tpu.memory_space<vmem_shared>>
    tpu.enqueue_indirect_dma source(%dma_start3A_214 : memref<8192x128xf32, #tpu.memory_space<vmem_shared>>) target(%arg11 : memref<80x128xf32, #tpu.memory_space<vmem>>) offsets(%dma_start3A_211 : memref<80xi32, #tpu.memory_space<vmem>>) semaphore(%arg16 : memref<!tpu.dma_semaphore, #tpu.memory_space<semaphore_mem>>)
    %dma_wait3A_215 = arith.constant 0 : i32
    %dma_wait3A_216 = arith.constant 0 : i32
    %dma_wait3A_217 = tpu.memref_slice %arg5[%dma_wait3A_215, %dma_wait3A_216] : memref<8192x128xf32, #tpu.memory_space<vmem_shared>> -> memref<80x128xf32, #tpu.memory_space<vmem_shared>>
    %dma_wait3A_218 = arith.constant 0 : i32
    %dma_wait3A_219 = arith.constant 0 : i32
    %dma_wait3A_220 = tpu.memref_slice %arg5[%dma_wait3A_218, %dma_wait3A_219] : memref<8192x128xf32, #tpu.memory_space<vmem_shared>> -> memref<80x128xf32, #tpu.memory_space<vmem_shared>>
    tpu.wait_dma2 semaphore(%arg14 : memref<!tpu.dma_semaphore, #tpu.memory_space<semaphore_mem>>) src(%dma_wait3A_220 : memref<80x128xf32, #tpu.memory_space<vmem_shared>>) dst(%arg9 : memref<80x128xf32, #tpu.memory_space<vmem>>)
    %add3A_221 = arith.constant 77 : i32
    %add3A_222 = arith.addi %mul3A_2, %add3A_221 : i32
    %mul3A_223 = arith.constant 80 : i32
    %mul3A_224 = arith.muli %add3A_222, %mul3A_223 : i32
    %dma_start3A_225 = arith.constant 0 : i32
    %dma_start3A_226 = tpu.memref_slice %arg4[%mul3A_224, %dma_start3A_225] : memref<204800x128xf32, #tpu.memory_space<hbm>> -> memref<80x128xf32, #tpu.memory_space<hbm>>
    %dma_start3A_227 = arith.constant 0 : i32
    %dma_start3A_228 = tpu.memref_slice %arg4[%mul3A_224, %dma_start3A_227] : memref<204800x128xf32, #tpu.memory_space<hbm>> -> memref<80x128xf32, #tpu.memory_space<hbm>>
    tpu.enqueue_dma source(%arg9 : memref<80x128xf32, #tpu.memory_space<vmem>>) target(%dma_start3A_228 : memref<80x128xf32, #tpu.memory_space<hbm>>) target_semaphore(%arg19 : memref<!tpu.dma_semaphore, #tpu.memory_space<semaphore_mem>>)
    %dma_wait3A_229 = arith.constant 0 : i32
    %dma_wait3A_230 = arith.constant 0 : i32
    %dma_wait3A_231 = tpu.memref_slice %arg5[%dma_wait3A_229, %dma_wait3A_230] : memref<8192x128xf32, #tpu.memory_space<vmem_shared>> -> memref<80x128xf32, #tpu.memory_space<vmem_shared>>
    %dma_wait3A_232 = arith.constant 0 : i32
    %dma_wait3A_233 = arith.constant 0 : i32
    %dma_wait3A_234 = tpu.memref_slice %arg5[%dma_wait3A_232, %dma_wait3A_233] : memref<8192x128xf32, #tpu.memory_space<vmem_shared>> -> memref<80x128xf32, #tpu.memory_space<vmem_shared>>
    tpu.wait_dma2 semaphore(%arg15 : memref<!tpu.dma_semaphore, #tpu.memory_space<semaphore_mem>>) src(%dma_wait3A_234 : memref<80x128xf32, #tpu.memory_space<vmem_shared>>) dst(%arg10 : memref<80x128xf32, #tpu.memory_space<vmem>>)
    %add3A_235 = arith.constant 78 : i32
    %add3A_236 = arith.addi %mul3A_2, %add3A_235 : i32
    %mul3A_237 = arith.constant 80 : i32
    %mul3A_238 = arith.muli %add3A_236, %mul3A_237 : i32
    %dma_start3A_239 = arith.constant 0 : i32
    %dma_start3A_240 = tpu.memref_slice %arg4[%mul3A_238, %dma_start3A_239] : memref<204800x128xf32, #tpu.memory_space<hbm>> -> memref<80x128xf32, #tpu.memory_space<hbm>>
    %dma_start3A_241 = arith.constant 0 : i32
    %dma_start3A_242 = tpu.memref_slice %arg4[%mul3A_238, %dma_start3A_241] : memref<204800x128xf32, #tpu.memory_space<hbm>> -> memref<80x128xf32, #tpu.memory_space<hbm>>
    tpu.enqueue_dma source(%arg10 : memref<80x128xf32, #tpu.memory_space<vmem>>) target(%dma_start3A_242 : memref<80x128xf32, #tpu.memory_space<hbm>>) target_semaphore(%arg20 : memref<!tpu.dma_semaphore, #tpu.memory_space<semaphore_mem>>)
    %dma_wait3A_243 = arith.constant 0 : i32
    %dma_wait3A_244 = arith.constant 0 : i32
    %dma_wait3A_245 = tpu.memref_slice %arg5[%dma_wait3A_243, %dma_wait3A_244] : memref<8192x128xf32, #tpu.memory_space<vmem_shared>> -> memref<80x128xf32, #tpu.memory_space<vmem_shared>>
    %dma_wait3A_246 = arith.constant 0 : i32
    %dma_wait3A_247 = arith.constant 0 : i32
    %dma_wait3A_248 = tpu.memref_slice %arg5[%dma_wait3A_246, %dma_wait3A_247] : memref<8192x128xf32, #tpu.memory_space<vmem_shared>> -> memref<80x128xf32, #tpu.memory_space<vmem_shared>>
    tpu.wait_dma2 semaphore(%arg16 : memref<!tpu.dma_semaphore, #tpu.memory_space<semaphore_mem>>) src(%dma_wait3A_248 : memref<80x128xf32, #tpu.memory_space<vmem_shared>>) dst(%arg11 : memref<80x128xf32, #tpu.memory_space<vmem>>)
    %add3A_249 = arith.constant 79 : i32
    %add3A_250 = arith.addi %mul3A_2, %add3A_249 : i32
    %mul3A_251 = arith.constant 80 : i32
    %mul3A_252 = arith.muli %add3A_250, %mul3A_251 : i32
    %dma_start3A_253 = arith.constant 0 : i32
    %dma_start3A_254 = tpu.memref_slice %arg4[%mul3A_252, %dma_start3A_253] : memref<204800x128xf32, #tpu.memory_space<hbm>> -> memref<80x128xf32, #tpu.memory_space<hbm>>
    %dma_start3A_255 = arith.constant 0 : i32
    %dma_start3A_256 = tpu.memref_slice %arg4[%mul3A_252, %dma_start3A_255] : memref<204800x128xf32, #tpu.memory_space<hbm>> -> memref<80x128xf32, #tpu.memory_space<hbm>>
    tpu.enqueue_dma source(%arg11 : memref<80x128xf32, #tpu.memory_space<vmem>>) target(%dma_start3A_256 : memref<80x128xf32, #tpu.memory_space<hbm>>) target_semaphore(%arg21 : memref<!tpu.dma_semaphore, #tpu.memory_space<semaphore_mem>>)
    %dma_wait3A_257 = arith.constant 0 : i32
    %dma_wait3A_258 = arith.constant 0 : i32
    %dma_wait3A_259 = tpu.memref_slice %arg4[%dma_wait3A_257, %dma_wait3A_258] : memref<204800x128xf32, #tpu.memory_space<hbm>> -> memref<80x128xf32, #tpu.memory_space<hbm>>
    %dma_wait3A_260 = arith.constant 0 : i32
    %dma_wait3A_261 = arith.constant 0 : i32
    %dma_wait3A_262 = tpu.memref_slice %arg4[%dma_wait3A_260, %dma_wait3A_261] : memref<204800x128xf32, #tpu.memory_space<hbm>> -> memref<80x128xf32, #tpu.memory_space<hbm>>
    tpu.wait_dma2 semaphore(%arg17 : memref<!tpu.dma_semaphore, #tpu.memory_space<semaphore_mem>>) src(%arg7 : memref<80x128xf32, #tpu.memory_space<vmem>>) dst(%dma_wait3A_262 : memref<80x128xf32, #tpu.memory_space<hbm>>)
    %dma_wait3A_263 = arith.constant 0 : i32
    %dma_wait3A_264 = arith.constant 0 : i32
    %dma_wait3A_265 = tpu.memref_slice %arg4[%dma_wait3A_263, %dma_wait3A_264] : memref<204800x128xf32, #tpu.memory_space<hbm>> -> memref<80x128xf32, #tpu.memory_space<hbm>>
    %dma_wait3A_266 = arith.constant 0 : i32
    %dma_wait3A_267 = arith.constant 0 : i32
    %dma_wait3A_268 = tpu.memref_slice %arg4[%dma_wait3A_266, %dma_wait3A_267] : memref<204800x128xf32, #tpu.memory_space<hbm>> -> memref<80x128xf32, #tpu.memory_space<hbm>>
    tpu.wait_dma2 semaphore(%arg18 : memref<!tpu.dma_semaphore, #tpu.memory_space<semaphore_mem>>) src(%arg8 : memref<80x128xf32, #tpu.memory_space<vmem>>) dst(%dma_wait3A_268 : memref<80x128xf32, #tpu.memory_space<hbm>>)
    %dma_wait3A_269 = arith.constant 0 : i32
    %dma_wait3A_270 = arith.constant 0 : i32
    %dma_wait3A_271 = tpu.memref_slice %arg4[%dma_wait3A_269, %dma_wait3A_270] : memref<204800x128xf32, #tpu.memory_space<hbm>> -> memref<80x128xf32, #tpu.memory_space<hbm>>
    %dma_wait3A_272 = arith.constant 0 : i32
    %dma_wait3A_273 = arith.constant 0 : i32
    %dma_wait3A_274 = tpu.memref_slice %arg4[%dma_wait3A_272, %dma_wait3A_273] : memref<204800x128xf32, #tpu.memory_space<hbm>> -> memref<80x128xf32, #tpu.memory_space<hbm>>
    tpu.wait_dma2 semaphore(%arg19 : memref<!tpu.dma_semaphore, #tpu.memory_space<semaphore_mem>>) src(%arg9 : memref<80x128xf32, #tpu.memory_space<vmem>>) dst(%dma_wait3A_274 : memref<80x128xf32, #tpu.memory_space<hbm>>)
    %dma_wait3A_275 = arith.constant 0 : i32
    %dma_wait3A_276 = arith.constant 0 : i32
    %dma_wait3A_277 = tpu.memref_slice %arg4[%dma_wait3A_275, %dma_wait3A_276] : memref<204800x128xf32, #tpu.memory_space<hbm>> -> memref<80x128xf32, #tpu.memory_space<hbm>>
    %dma_wait3A_278 = arith.constant 0 : i32
    %dma_wait3A_279 = arith.constant 0 : i32
    %dma_wait3A_280 = tpu.memref_slice %arg4[%dma_wait3A_278, %dma_wait3A_279] : memref<204800x128xf32, #tpu.memory_space<hbm>> -> memref<80x128xf32, #tpu.memory_space<hbm>>
    tpu.wait_dma2 semaphore(%arg20 : memref<!tpu.dma_semaphore, #tpu.memory_space<semaphore_mem>>) src(%arg10 : memref<80x128xf32, #tpu.memory_space<vmem>>) dst(%dma_wait3A_280 : memref<80x128xf32, #tpu.memory_space<hbm>>)
    %dma_wait3A_281 = arith.constant 0 : i32
    %dma_wait3A_282 = arith.constant 0 : i32
    %dma_wait3A_283 = tpu.memref_slice %arg4[%dma_wait3A_281, %dma_wait3A_282] : memref<204800x128xf32, #tpu.memory_space<hbm>> -> memref<80x128xf32, #tpu.memory_space<hbm>>
    %dma_wait3A_284 = arith.constant 0 : i32
    %dma_wait3A_285 = arith.constant 0 : i32
    %dma_wait3A_286 = tpu.memref_slice %arg4[%dma_wait3A_284, %dma_wait3A_285] : memref<204800x128xf32, #tpu.memory_space<hbm>> -> memref<80x128xf32, #tpu.memory_space<hbm>>
    tpu.wait_dma2 semaphore(%arg21 : memref<!tpu.dma_semaphore, #tpu.memory_space<semaphore_mem>>) src(%arg11 : memref<80x128xf32, #tpu.memory_space<vmem>>) dst(%dma_wait3A_286 : memref<80x128xf32, #tpu.memory_space<hbm>>)
    return
  }
}

</mosaic_0001>

<sc_bundles>
// kernel: kernel.3.cloned.1.call-start
scs
__scs_entry_jumppad:
0x0: {  	(pc) =	sbr.rel $0x88, $3  }
0x1: {  	(tag) =	ssettag $0x0;
	lr =	simm.s32 $0x1  }
0x2: {  	[smem:$0x3F9F] =	sst lr;
	_ =	strace $0xD0000000  }
0x3: {  	_ = 	snop  }
0x4: {  	_ = 	snop  }
0x5: {  	_ = 	snop  }
0x6: {  	_ = 	snop  }
0x7: {  	_ = 	snop  }
__scs_overlays_trampoline_lowered:
0x8: {  	[smem:$0x3FAE] =	sst s0  }
0x9: {  	[smem:$0x3FAF] =	sst s1  }
0xa: {  	[smem:$0x3FB0] =	sst s2  }
0xb: {  	[smem:$0x3FB1] =	sst s3  }
0xc: {  	[smem:$0x3FB2] =	sst s4  }
0xd: {  	[smem:$0x3FB3] =	sst s5  }
0xe: {  	[smem:$0x3FB4] =	sst s6  }
0xf: {  	[smem:$0x3FB5] =	sst s7  }
0x10: {  	[smem:$0x3FB6] =	sst s8  }
0x11: {  	[smem:$0x3FB7] =	sst s9;
	s0 =	simm.s32 @!p0 $0x0  }
0x12: {  	s1 =	sld [smem:$0x3F9D];
	s0 =	simm.s32 @p0 $0x1  }
0x13: {  	[smem:$0x3FB8] =	sst s0;
	s0 =	simm.s32 @!p1 $0x0  }
0x14: {  	s2 =	sld [smem:$0x3F9C];
	s0 =	simm.s32 @p1 $0x1  }
0x15: {  	[smem:$0x3FB9] =	sst s0;
	s0 =	simm.s32 @!p2 $0x0  }
0x16: {  	s3 =	sld [smem:$0x3FDB];
	s0 =	simm.s32 @p2 $0x1  }
0x17: {  	s4 =	simm.s32 $0x1BF5;
	[smem:$0x3FBB] =	sst s0  }
0x18: {  	s0 =	sld [smem:$0x3F9E];
	_ =	swait.ge [sflag:s4], $0x0  }
0x19: {  	s7 =	sld [smem:$0x3F9F]  }
0x1a: {  	s8 =	sadd.s32 $0xFFFFE003, lr  }
0x1b: {  	s9 =	sadd.s32 $0xFFFFFEF7, lr;
	s5 =	simm.s32 $0xFFFFFFFF;
	p2 =	slt.u32 s8, $0xFFFFF086  }
0x1c: {  	p1 =	slt.u32 s9, $0xF7A;
	s5 =	simm.s32 @!p2 $0x0  }
0x1d: {  	s5 =	simm.s32 @p1 $0x1;
	p0 =	seq.s32 s7, s2  }
0x1e: {  	s7 =	smul.u32 @!p0 $0xF7A, s2;
	p2 =	seq.s32 @!p0 s5, $0x0  }
0x1f: {  	s9 =	smul.u32 $0xF7A, s1;
	s8 =	simm.s32 @!p0 $0x1BF5;
	p2 =	por !p2, p0  }
0x20: {  	[sflag:s8] =	ssyncset.s32 @!p0 $0xFFFFF086;
	s6 =	sadd.s32 @!p0 s3, s7;
	s7 =	simm.s32 @!p0 $0x108  }
0x21: {  	s3 =	sadd.s32 s3, s9;
	s6 =	sadd.s32 @!p0 $0x88, s6;
	s7 =	simm.s32 @p2 $0x1082  }
0x22: {  	[simem:s7], [sflag:s8] =	dma.local @!p0 [hbm:s6], $0xF7A  }
0x23: {  	s9 =	sor.u32 $0xD0000000, s2;
	s6 =	simm.s32 $0x108;
	_ =	swait.ge @!p0 [sflag:s8], $0x0  }
0x24: {  	s3 =	sadd.s32 $0x88, s3;
	s6 =	simm.s32 @!p1 $0x1082;
	[sflag:s4] =	ssyncset.s32 $0xFFFFF086  }
0x25: {  	[simem:s6], [sflag:s4] =	dma.local [hbm:s3], $0xF7A  }
0x26: {  	[smem:$0x3F9F] =	sst s1;
	(tag) =	ssettag s2;
	_ =	strace s9  }
0x27: {  	s1 =	sld [smem:$0x3FAF]  }
0x28: {  	s2 =	sld [smem:$0x3FB0]  }
0x29: {  	s4 =	sld [smem:$0x3FB2]  }
0x2a: {  	p0 =	seq.s32 s5, $0x0;
	s5 =	sld [smem:$0x3FB3]  }
0x2b: {  	s6 =	sld [smem:$0x3FB4]  }
0x2c: {  	s7 =	sld [smem:$0x3FB5]  }
0x2d: {  	s3 =	simm.s32 $0x108;
	s8 =	sld [smem:$0x3FB6]  }
0x2e: {  	s3 =	simm.s32 @!p0 $0x1082;
	s9 =	sld [smem:$0x3FB7]  }
0x2f: {  	lr =	sadd.s32 s0, s3;
	s0 =	sld [smem:$0x3FAE]  }
0x30: {  	s3 =	sld [smem:$0x3FB1]  }
0x31: {  	[smem:$0x3FBA] =	sst s10  }
0x32: {  	s10 =	sld [smem:$0x3FB8];
	_ =	sdelay $0x3  }
0x33: {  	p0 =	seq.s32 s10, $0x1;
	s10 =	sld [smem:$0x3FBA];
	_ =	sdelay $0x3  }
0x34: {  	[smem:$0x3FBA] =	sst s10  }
0x35: {  	s10 =	sld [smem:$0x3FB9];
	_ =	sdelay $0x3  }
0x36: {  	p1 =	seq.s32 s10, $0x1;
	s10 =	sld [smem:$0x3FBA];
	_ =	sdelay $0x3  }
0x37: {  	[smem:$0x3FBA] =	sst s10  }
0x38: {  	s10 =	sld [smem:$0x3FBB]  }
0x39: {  	_ = 	snop;
	(pc) =	sbr.ind lr, $3  }
0x3a: {  	_ = 	snop  }
0x3b: {  	_ = 	snop  }
0x3c: {  	p2 =	seq.s32 s10, $0x1;
	s10 =	sld [smem:$0x3FBA]  }
0x3d: {  	_ =	shalt  }
0x3e: {  	_ =	shalt  }
0x3f: {  	_ =	shalt  }
0x40: {  	_ =	shalt  }
0x41: {  	_ =	shalt  }
0x42: {  	_ =	shalt  }
0x43: {  	_ =	shalt  }
0x44: {  	_ =	shalt  }
0x45: {  	_ =	shalt  }
0x46: {  	_ =	shalt  }
0x47: {  	_ =	shalt  }
0x48: {  	_ =	shalt  }
0x49: {  	_ =	shalt  }
0x4a: {  	_ =	shalt  }
0x4b: {  	_ =	shalt  }
0x4c: {  	_ =	shalt  }
0x4d: {  	_ =	shalt  }
0x4e: {  	_ =	shalt  }
0x4f: {  	_ =	shalt  }
0x50: {  	_ =	shalt  }
0x51: {  	_ =	shalt  }
0x52: {  	_ =	shalt  }
0x53: {  	_ =	shalt  }
0x54: {  	_ =	shalt  }
0x55: {  	_ =	shalt  }
0x56: {  	_ =	shalt  }
0x57: {  	_ =	shalt  }
0x58: {  	_ =	shalt  }
0x59: {  	_ =	shalt  }
0x5a: {  	_ =	shalt  }
0x5b: {  	_ =	shalt  }
0x5c: {  	_ =	shalt  }
0x5d: {  	_ =	shalt  }
0x5e: {  	_ =	shalt  }
0x5f: {  	_ =	shalt  }
0x60: {  	_ =	shalt  }
0x61: {  	_ =	shalt  }
0x62: {  	_ =	shalt  }
0x63: {  	_ =	shalt  }
0x64: {  	_ =	shalt  }
0x65: {  	_ =	shalt  }
0x66: {  	_ =	shalt  }
0x67: {  	_ =	shalt  }
0x68: {  	_ =	shalt  }
0x69: {  	_ =	shalt  }
0x6a: {  	_ =	shalt  }
0x6b: {  	_ =	shalt  }
0x6c: {  	_ =	shalt  }
0x6d: {  	_ =	shalt  }
0x6e: {  	_ =	shalt  }
0x6f: {  	_ =	shalt  }
0x70: {  	_ =	shalt  }
0x71: {  	_ =	shalt  }
0x72: {  	_ =	shalt  }
0x73: {  	_ =	shalt  }
0x74: {  	_ =	shalt  }
0x75: {  	_ =	shalt  }
0x76: {  	_ =	shalt  }
0x77: {  	_ =	shalt  }
0x78: {  	_ =	shalt  }
0x79: {  	_ =	shalt  }
0x7a: {  	_ =	shalt  }
0x7b: {  	_ =	shalt  }
0x7c: {  	_ =	shalt  }
0x7d: {  	_ =	shalt  }
0x7e: {  	_ =	shalt  }
0x7f: {  	_ =	shalt  }
0x80: {  	_ =	shalt  }
0x81: {  	_ =	shalt  }
0x82: {  	_ =	shalt  }
0x83: {  	_ =	shalt  }
0x84: {  	_ =	shalt  }
0x85: {  	_ =	shalt  }
0x86: {  	_ =	shalt  }
0x87: {  	_ =	shalt  }
.Lfunc_end0:
.L_simem_size_0:
called_computation_lowered:
.L_overlay_start_0:
0x88: {  	s2 =	sld [smem:$0x3FD9]  }
0x89: {  	s3 =	sld [smem:$0x3FFE];
	_ =	sdelay $0x1  }
0x8a: {  	s1 =	srdreg.scid  }
0x8b: {  	s0 =	sand.u32 $0x1, s1  }
0x8c: {  	s17 =	sshll.u32 s0, $0xA;
	s2 =	sadd.s32 s3, s2  }
0x8d: {  	s2 =	sadd.s32 s2, s17  }
0x8e: {  	[smem:$0x3FC6] =	sst s2  }
0x8f: {  	_ = 	snop  }
0x90: {  	s2 =	sld [smem:$0x3FC8]  }
0x91: {  	s18 =	sld [smem:$0x3FD0];
	(tm) =	ssettm $0x1  }
0x92: {  	s4 =	sld [smem:$0x3FFB];
	_ =	sdelay $0x3  }
0x93: {  	_ =	strace s4  }
0x94: {  	s4 =	sld [smem:$0x3FFC];
	_ =	sdelay $0x3  }
0x95: {  	_ =	strace s4  }
0x96: {  	s4 =	sld [smem:$0x3FFD];
	_ =	sdelay $0x3  }
0x97: {  	_ =	strace s4  }
0x98: {  	_ =	strace $0x8FFFFFFF  }
0x99: {  	s19 =	sld [smem:$0x3FDB];
	_ =	sdelay $0x1  }
0x9a: {  	s5 =	simm.s32 $_scs_section_size  }
0x9b: {  	s6 =	simm.s32 $_size__tile_overlayer_lowered;
	s7 =	simm.s32 $_tile_overlayer_lowered  }
0x9c: {  	s22 =	simm.s32 $0x1BFF;
	s21 =	sshll.u32 s7, $0x1;
	s4 =	sadd.s32 s5, s19  }
0x9d: {  	s8 =	simm.s32 $0x0;
	s20 =	sshll.u32 s6, $0x1;
	s6 =	sadd.s32 s21, s4  }
0x9e: {  	[timem:s8], [sflag:s22] =	dma.local [hbm:s6], s20  }
0x9f: {  	_ =	swait.ge [sflag:s22], s20  }
0xa0: {  	s5 =	ssub.s32 $0x0, s20;
	[sflag:s22] =	ssyncset.done $0x0  }
0xa1: {  	[sflag:s22] =	ssyncadd.s32 s5;
	_ =	sdelay $0x1  }
0xa2: {  	s23 =	simm.s32 $0x1B8B  }
0xa3: {  	_ =	swait.ge [sflag:s23], $0x1  }
0xa4: {  	[sflag:s23] =	ssyncset.done $0x0  }
0xa5: {  	s25 =	simm.s32 $0x1B8E;
	s24 =	sld [smem:$0x3FFE];
	[sflag:s23] =	ssyncadd.s32 $0xFFFFFFFF  }
0xa6: {  	s26 =	simm.s32 $execute0_lowered;
	[smem:$0x3FD2] =	sst s25  }
0xa7: {  	s6 =	sshll.u32 s26, $0x1;
	_ =	strace $0x80000046;
	[dreg:$0x1] =	wrdreg $0xFFFFFFFF  }
0xa8: {  	s28 =	simm.s32 $_size_execute0_lowered;
	s4 =	sadd.s32 s4, s6;
	[dreg:$0x0] =	wrdreg $0x0  }
0xa9: {  	s6 =	sshll.u32 s28, $0x1;
	[dreg:$0x2] =	wrdreg s4  }
0xaa: {  	[dreg:$0x3] =	wrdreg s6  }
0xab: {  	[dreg:$0x4] =	wrdreg $0xC0  }
0xac: {  	_ =	task [dreg:s8], $0x5FFFF  }
0xad: {  	[dreg:$0x1] =	wrdreg $0xFFFFFFFF  }
0xae: {  	[dreg:$0x0] =	wrdreg $0x60  }
0xaf: {  	[dreg:$0x2] =	wrdreg s2  }
0xb0: {  	[dreg:$0x3] =	wrdreg s24  }
0xb1: {  	[dreg:$0x4] =	wrdreg s18  }
0xb2: {  	[dreg:$0x5] =	wrdreg $0x0  }
0xb3: {  	[dreg:$0x6] =	wrdreg $0x9  }
0xb4: {  	_ =	task.clear_ibuf [dreg:s8], $0x7FFFF;
	_ =	strace $0x90000046  }
0xb5: {  	s29 =	simm.s32 $0x9;
	_ =	strace $0x80000048  }
0xb6: {  	_ =	swait.ge [sflag:s29], $0x1  }
0xb7: {  	[sflag:s29] =	ssyncadd.s32 $0xFFFFFFFF  }
0xb8: {  	_ =	strace $0x90000048  }
0xb9: {  	_ =	sfence  }
0xba: {  	s30 =	sld [smem:$0x0];
	_ =	sdelay $0x2  }
0xbb: {  	s31 =	sshll.u32 s1, $0xD;
	s1 =	sshrl.u32 s1, $0x2  }
0xbc: {  	s3 =	sand.u32 $0x4000, s31;
	s1 =	sadd.s32 s1, s30  }
0xbd: {  	s0 =	sor.u32 s3, s0;
	s1 =	sshll.u32 s1, $0x11  }
0xbe: {  	s0 =	sor.u32 s1, s0  }
0xbf: {  	s0 =	sadd.s32 $0x8F2B, s0  }
0xc0: {  	[sflag:s0] =	ssyncadd.remote.s32 $0x1  }
0xc1: {  	_ =	sfence.sel $0xFFFF  }
0xc2: {  	[dreg:$0x0] =	wrdreg $0xFFFFFFFF;
	(pc) =	sbr.abs _section_cstart, $3  }
0xc3: {  	[dreg:$0x1] =	wrdreg $0xFFFFFFFF  }
0xc4: {  	_ =	task.clear_ibuf [dreg:s8], $0x2FFFF;
	_ =	strace $0x9FFFFFFF  }
0xc5: {  	(tm) =	ssettm $0x7FFFFFFF  }
tec
execute0_lowered:
.L_overlay_start_1:
0x0: {  	(tag) =	ssettag $0x1  }
0x1: {  	s0 =	rddreg [dreg:$0x0]  }
0x2: {  	s1 =	rddreg [dreg:$0x1]  }
0x3: {  	s4 =	rddreg [dreg:$0x2];
	s3 =	srdreg.scid  }
0x4: {  	s13 =	stileid.u32;
	s2 =	rddreg [dreg:$0x3]  }
0x5: {  	s29 =	simm.s32 $0x17800;
	s30 =	simm.s32 $0x1;
	s28 =	simm.s32 $0x1C800  }
0x6: {  	s31 =	simm.s32 $0x3;
	s5 =	sand.u32 $0x1, s3;
	s6 =	sshll.u32 s13, $0x1  }
0x7: {  	s3 =	simm.s32 $0x0;
	s9 =	sshll.u32 s13, $0x10;
	s10 =	sshll.u32 s13, $0xD  }
0x8: {  	s11 =	sshll.u32 s13, $0x6;
	s21 =	smul.u32 $0x32000, s13;
	s6 =	sor.u32 s5, s6  }
0x9: {  	[smem:$0x7FF] =	sst s3;
	s8 =	ssub.s32 $0x2, s5;
	s0 =	sadd.s32 s0, s10  }
0xa: {  	s16 =	sor.u32 $0x1C0B, s11;
	s5 =	smul.u32 $0x19000, s5;
	s10 =	simm.s32 $0xA  }
0xb: {  	s11 =	simm.s32 $0x0;
	s7 =	smul.u32 $0x500, s6;
	_ =	strace $0x80000047  }
0xc: {  	s14 =	sshrl.u32 s8, $0x1;
	s15 =	smul.u32 $0x19000, s6;
	[dreg:$0x5] =	wrdreg s0  }
0xd: {  	s12 =	smul.u32 $0xC8000, s6;
	[dreg:$0x6] =	wrdreg s16;
	s1 =	sadd.s32 s7, s1  }
0xe: {  	s7 =	ssub.s32 s8, s14;
	s8 =	sadd.s32 s9, s2;
	s6 =	sadd.s32 s4, s15  }
0xf: {  	s19 =	sshrl.u32 s12, $0x3;
	s17 =	sadd.s32 $0x400, s1;
	s18 =	sadd.s32 $0x500, s6  }
0x10: {  	s20 =	sadd.s32 $0xA00, s6;
	s0 =	sadd.s32 s4, s19;
	[dreg:$0x7] =	wrdreg s17  }
0x11: {  	s9 =	sadd.s32 $0xF00, s6;
	s1 =	sadd.s32 s21, s4;
	[dreg:$0x8] =	wrdreg s18  }
0x12: {  	s19 =	sshrl.u32 s8, $0x3;
	s21 =	simm.s32 $0xC;
	[dreg:$0x9] =	wrdreg s20  }
0x13: {  	s4 =	simm.s32 $0x4;
	s8 =	simm.s32 $0x8;
	[dreg:$0xa] =	wrdreg s9  }
0x14: {  	s22 =	sadd.s32 $0x1400, s0;
	s23 =	sadd.s32 $0x17700, s0;
	s24 =	sadd.s32 $0x17C00, s0  }
0x15: {  	s25 =	sadd.s32 $0x18100, s0;
	s26 =	sadd.s32 $0x18600, s0;
	[dreg:$0xb] =	wrdreg s22  }
0x16: {  	s1 =	sadd.s32 s5, s1;
	s16 =	sadd.s32 $0x18B00, s0;
	[dreg:$0xc] =	wrdreg s23  }
0x17: {  	s17 =	smax.u32 s7, $0x1;
	s0 =	simm.s32 $0x2;
	[dreg:$0xd] =	wrdreg s24  }
0x18: {  	s5 =	simm.s32 $0x7;
	s7 =	simm.s32 $0x5;
	[dreg:$0xe] =	wrdreg s25  }
0x19: {  	s9 =	simm.s32 $0x9;
	[dreg:$0xf] =	wrdreg s26;
	s14 =	sadd.s32 $0x2D00, s1  }
0x1a: {  	s22 =	simm.s32 $0xB;
	s23 =	simm.s32 $0x50;
	s24 =	simm.s32 $0x12800  }
0x1b: {  	s26 =	simm.s32 $0x15000;
	s1 =	simm.s32 $0x1A000;
	s25 =	simm.s32 $0x6  }
.LBB2_1:
0x1c: {  	s12 =	rddreg [dreg:$0x5]  }
0x1d: {  	s13 =	rddreg [dreg:$0x6]  }
0x1e: {  	[spmem:s19], [sflag:s13] =	dma.local [hbm:s12], $0x2000  }
0x1f: {  	s20 =	simm.s32 $0x10000;
	s12 =	rddreg [dreg:$0x7]  }
0x20: {  	[tilespmem:s20], [sflag:$0xC] =	stream.linear.gather [hbm4b:s12+s3], $0x2800, $0x38;
	[tilespmem:$0x1F000] =	vst v63  }
0x21: {  	_ =	swait.ge [sflag:s21], $0x2800  }
0x22: {  	[sflag:s21] =	ssyncset.done $0x0  }
0x23: {  	[sflag:s21] =	ssyncadd.s32 $0xFFFFD800  }
0x24: {  	_ =	swait.ge [sflag:s22], $0x2000  }
0x25: {  	[sflag:s22] =	ssyncset.done $0x0  }
0x26: {  	[sflag:s22] =	ssyncadd.s32 $0xFFFFE000  }
0x27: {  	[bflag:$0x0] =	sbarrier.arrive $0xFFFF  }
0x28: {  	[tilespmem:s24], [sflag:$0x1] =	stream.indirect.gather [spmem:s2], $0x80, s20, s23, $0xb8;
	[tilespmem:$0x1F000] =	vst v63  }
0x29: {  	s15 =	simm.s32 $0x10080  }
0x2a: {  	[tilespmem:s26], [sflag:$0x2] =	stream.indirect.gather [spmem:s2], $0x80, s15, s23, $0xb8;
	[tilespmem:$0x1F000] =	vst v63  }
0x2b: {  	s18 =	simm.s32 $0x10100  }
0x2c: {  	[tilespmem:s29], [sflag:$0x3] =	stream.indirect.gather [spmem:s2], $0x80, s18, s23, $0xb8;
	[tilespmem:$0x1F000] =	vst v63  }
0x2d: {  	_ =	swait.ge [sflag:s30], $0x2800  }
0x2e: {  	[sflag:s30] =	ssyncset.done $0x0  }
0x2f: {  	[sflag:s30] =	ssyncadd.s32 $0xFFFFD800  }
0x30: {  	[hbm4b:s6+s3] =	stream.linear.scatter [tilespmem:s24], [sflag:$0x6], $0x2800, $0x38;
	[tilespmem:$0x1F000] =	vst v63  }
0x31: {  	s20 =	simm.s32 $0x10180  }
0x32: {  	[tilespmem:s1], [sflag:$0x4] =	stream.indirect.gather [spmem:s2], $0x80, s20, s23, $0xb8;
	[tilespmem:$0x1F000] =	vst v63  }
0x33: {  	_ =	swait.ge [sflag:s0], $0x2800  }
0x34: {  	[sflag:s0] =	ssyncset.done $0x0  }
0x35: {  	s13 =	rddreg [dreg:$0x8];
	[sflag:s0] =	ssyncadd.s32 $0xFFFFD800  }
0x36: {  	[hbm4b:s13+s3] =	stream.linear.scatter [tilespmem:s26], [sflag:$0x7], $0x2800, $0x38;
	[tilespmem:$0x1F000] =	vst v63  }
0x37: {  	s15 =	simm.s32 $0x10200  }
0x38: {  	[tilespmem:s28], [sflag:$0x5] =	stream.indirect.gather [spmem:s2], $0x80, s15, s23, $0xb8;
	[tilespmem:$0x1F000] =	vst v63  }
0x39: {  	_ =	swait.ge [sflag:s31], $0x2800  }
0x3a: {  	[sflag:s31] =	ssyncset.done $0x0  }
0x3b: {  	s18 =	rddreg [dreg:$0x9];
	[sflag:s31] =	ssyncadd.s32 $0xFFFFD800  }
0x3c: {  	[hbm4b:s18+s3] =	stream.linear.scatter [tilespmem:s29], [sflag:$0x8], $0x2800, $0x38;
	[tilespmem:$0x1F000] =	vst v63  }
0x3d: {  	_ =	swait.ge [sflag:s25], $0x2800  }
0x3e: {  	[sflag:s25] =	ssyncset.done $0x0  }
0x3f: {  	s20 =	simm.s32 $0x10280;
	[sflag:s25] =	ssyncadd.s32 $0xFFFFD800  }
0x40: {  	[tilespmem:s24], [sflag:$0x1] =	stream.indirect.gather [spmem:s2], $0x80, s20, s23, $0xb8;
	[tilespmem:$0x1F000] =	vst v63  }
0x41: {  	_ =	swait.ge [sflag:s4], $0x2800  }
0x42: {  	[sflag:s4] =	ssyncset.done $0x0  }
0x43: {  	s13 =	rddreg [dreg:$0xa];
	[sflag:s4] =	ssyncadd.s32 $0xFFFFD800  }
0x44: {  	[hbm4b:s13+s3] =	stream.linear.scatter [tilespmem:s1], [sflag:$0x9], $0x2800, $0x38;
	[tilespmem:$0x1F000] =	vst v63  }
0x45: {  	_ =	swait.ge [sflag:s5], $0x2800  }
0x46: {  	[sflag:s5] =	ssyncset.done $0x0  }
0x47: {  	s15 =	simm.s32 $0x10300;
	[sflag:s5] =	ssyncadd.s32 $0xFFFFD800  }
0x48: {  	[tilespmem:s26], [sflag:$0x2] =	stream.indirect.gather [spmem:s2], $0x80, s15, s23, $0xb8;
	[tilespmem:$0x1F000] =	vst v63  }
0x49: {  	_ =	swait.ge [sflag:s7], $0x2800  }
0x4a: {  	[sflag:s7] =	ssyncset.done $0x0  }
0x4b: {  	s18 =	rddreg [dreg:$0xb];
	[sflag:s7] =	ssyncadd.s32 $0xFFFFD800  }
0x4c: {  	[hbm4b:s18+s3] =	stream.linear.scatter [tilespmem:s28], [sflag:$0xA], $0x2800, $0x38;
	[tilespmem:$0x1F000] =	vst v63  }
0x4d: {  	_ =	swait.ge [sflag:s8], $0x2800  }
0x4e: {  	[sflag:s8] =	ssyncset.done $0x0  }
0x4f: {  	s20 =	simm.s32 $0x10380;
	[sflag:s8] =	ssyncadd.s32 $0xFFFFD800  }
0x50: {  	[tilespmem:s29], [sflag:$0x3] =	stream.indirect.gather [spmem:s2], $0x80, s20, s23, $0xb8;
	[tilespmem:$0x1F000] =	vst v63  }
0x51: {  	_ =	swait.ge [sflag:s30], $0x2800  }
0x52: {  	[sflag:s30] =	ssyncset.done $0x0  }
0x53: {  	s13 =	sadd.s32 $0xFFFFEC00, s14;
	[sflag:s30] =	ssyncadd.s32 $0xFFFFD800  }
0x54: {  	[hbm4b:s13+s3] =	stream.linear.scatter [tilespmem:s24], [sflag:$0x6], $0x2800, $0x38;
	[tilespmem:$0x1F000] =	vst v63  }
0x55: {  	_ =	swait.ge [sflag:s9], $0x2800  }
0x56: {  	[sflag:s9] =	ssyncset.done $0x0  }
0x57: {  	s15 =	simm.s32 $0x10400;
	[sflag:s9] =	ssyncadd.s32 $0xFFFFD800  }
0x58: {  	[tilespmem:s1], [sflag:$0x4] =	stream.indirect.gather [spmem:s2], $0x80, s15, s23, $0xb8;
	[tilespmem:$0x1F000] =	vst v63  }
0x59: {  	_ =	swait.ge [sflag:s0], $0x2800  }
0x5a: {  	[sflag:s0] =	ssyncset.done $0x0  }
0x5b: {  	s18 =	sadd.s32 $0xFFFFF100, s14;
	[sflag:s0] =	ssyncadd.s32 $0xFFFFD800  }
0x5c: {  	[hbm4b:s18+s3] =	stream.linear.scatter [tilespmem:s26], [sflag:$0x7], $0x2800, $0x38;
	[tilespmem:$0x1F000] =	vst v63  }
0x5d: {  	_ =	swait.ge [sflag:s10], $0x2800  }
0x5e: {  	[sflag:s10] =	ssyncset.done $0x0  }
0x5f: {  	s20 =	simm.s32 $0x10480;
	[sflag:s10] =	ssyncadd.s32 $0xFFFFD800  }
0x60: {  	[tilespmem:s28], [sflag:$0x5] =	stream.indirect.gather [spmem:s2], $0x80, s20, s23, $0xb8;
	[tilespmem:$0x1F000] =	vst v63  }
0x61: {  	_ =	swait.ge [sflag:s31], $0x2800  }
0x62: {  	[sflag:s31] =	ssyncset.done $0x0  }
0x63: {  	s13 =	sadd.s32 $0xFFFFF600, s14;
	[sflag:s31] =	ssyncadd.s32 $0xFFFFD800  }
0x64: {  	[hbm4b:s13+s3] =	stream.linear.scatter [tilespmem:s29], [sflag:$0x8], $0x2800, $0x38;
	[tilespmem:$0x1F000] =	vst v63  }
0x65: {  	_ =	swait.ge [sflag:s25], $0x2800  }
0x66: {  	[sflag:s25] =	ssyncset.done $0x0  }
0x67: {  	s15 =	simm.s32 $0x10500;
	[sflag:s25] =	ssyncadd.s32 $0xFFFFD800  }
0x68: {  	[tilespmem:s24], [sflag:$0x1] =	stream.indirect.gather [spmem:s2], $0x80, s15, s23, $0xb8;
	[tilespmem:$0x1F000] =	vst v63  }
0x69: {  	_ =	swait.ge [sflag:s4], $0x2800  }
0x6a: {  	[sflag:s4] =	ssyncset.done $0x0  }
0x6b: {  	s18 =	sadd.s32 $0xFFFFFB00, s14;
	[sflag:s4] =	ssyncadd.s32 $0xFFFFD800  }
0x6c: {  	[hbm4b:s18+s3] =	stream.linear.scatter [tilespmem:s1], [sflag:$0x9], $0x2800, $0x38;
	[tilespmem:$0x1F000] =	vst v63  }
0x6d: {  	_ =	swait.ge [sflag:s5], $0x2800  }
0x6e: {  	[sflag:s5] =	ssyncset.done $0x0  }
0x6f: {  	s20 =	simm.s32 $0x10580;
	[sflag:s5] =	ssyncadd.s32 $0xFFFFD800  }
0x70: {  	[tilespmem:s26], [sflag:$0x2] =	stream.indirect.gather [spmem:s2], $0x80, s20, s23, $0xb8;
	[tilespmem:$0x1F000] =	vst v63  }
0x71: {  	_ =	swait.ge [sflag:s7], $0x2800  }
0x72: {  	s12 =	simm.s32 $0xA00;
	[sflag:s7] =	ssyncset.done $0x0  }
0x73: {  	s13 =	sadd.s32 $0x1900, s14;
	s18 =	smov.u32 s14;
	[sflag:s7] =	ssyncadd.s32 $0xFFFFD800  }
.LBB2_2:
0x74: {  	[hbm4b:s18+s3] =	stream.linear.scatter [tilespmem:s28], [sflag:$0xA], $0x2800, $0x38;
	[tilespmem:$0x1F000] =	vst v63  }
0x75: {  	s15 =	smov.u32 s12;
	s18 =	smov.u32 s13  }
0x76: {  	p0 =	sne.s32 s12, $0x8200;
	s12 =	sadd.s32 $0xA00, s12;
	_ =	swait.ge [sflag:s8], $0x2800  }
0x77: {  	s15 =	sshra.s32 s15, $0x2;
	[sflag:s8] =	ssyncset.done $0x0  }
0x78: {  	s20 =	sadd.s32 $0x10380, s15;
	[sflag:s8] =	ssyncadd.s32 $0xFFFFD800  }
0x79: {  	[tilespmem:s29], [sflag:$0x3] =	stream.indirect.gather [spmem:s2], $0x80, s20, s23, $0xb8;
	[tilespmem:$0x1F000] =	vst v63  }
0x7a: {  	_ =	swait.ge [sflag:s30], $0x2800  }
0x7b: {  	[sflag:s30] =	ssyncset.done $0x0  }
0x7c: {  	s20 =	sadd.s32 $0xFFFFEC00, s13;
	[sflag:s30] =	ssyncadd.s32 $0xFFFFD800  }
0x7d: {  	[hbm4b:s20+s3] =	stream.linear.scatter [tilespmem:s24], [sflag:$0x6], $0x2800, $0x38;
	[tilespmem:$0x1F000] =	vst v63  }
0x7e: {  	_ =	swait.ge [sflag:s9], $0x2800  }
0x7f: {  	[sflag:s9] =	ssyncset.done $0x0  }
0x80: {  	s20 =	sadd.s32 $0x10400, s15;
	[sflag:s9] =	ssyncadd.s32 $0xFFFFD800  }
0x81: {  	[tilespmem:s1], [sflag:$0x4] =	stream.indirect.gather [spmem:s2], $0x80, s20, s23, $0xb8;
	[tilespmem:$0x1F000] =	vst v63  }
0x82: {  	_ =	swait.ge [sflag:s0], $0x2800  }
0x83: {  	[sflag:s0] =	ssyncset.done $0x0  }
0x84: {  	s20 =	sadd.s32 $0xFFFFF100, s13;
	[sflag:s0] =	ssyncadd.s32 $0xFFFFD800  }
0x85: {  	[hbm4b:s20+s3] =	stream.linear.scatter [tilespmem:s26], [sflag:$0x7], $0x2800, $0x38;
	[tilespmem:$0x1F000] =	vst v63  }
0x86: {  	_ =	swait.ge [sflag:s10], $0x2800  }
0x87: {  	[sflag:s10] =	ssyncset.done $0x0  }
0x88: {  	s20 =	sadd.s32 $0x10480, s15;
	[sflag:s10] =	ssyncadd.s32 $0xFFFFD800  }
0x89: {  	[tilespmem:s28], [sflag:$0x5] =	stream.indirect.gather [spmem:s2], $0x80, s20, s23, $0xb8;
	[tilespmem:$0x1F000] =	vst v63  }
0x8a: {  	_ =	swait.ge [sflag:s31], $0x2800  }
0x8b: {  	[sflag:s31] =	ssyncset.done $0x0  }
0x8c: {  	s20 =	sadd.s32 $0xFFFFF600, s13;
	[sflag:s31] =	ssyncadd.s32 $0xFFFFD800  }
0x8d: {  	[hbm4b:s20+s3] =	stream.linear.scatter [tilespmem:s29], [sflag:$0x8], $0x2800, $0x38;
	[tilespmem:$0x1F000] =	vst v63  }
0x8e: {  	_ =	swait.ge [sflag:s25], $0x2800  }
0x8f: {  	[sflag:s25] =	ssyncset.done $0x0  }
0x90: {  	s20 =	sadd.s32 $0x10500, s15;
	[sflag:s25] =	ssyncadd.s32 $0xFFFFD800  }
0x91: {  	[tilespmem:s24], [sflag:$0x1] =	stream.indirect.gather [spmem:s2], $0x80, s20, s23, $0xb8;
	[tilespmem:$0x1F000] =	vst v63  }
0x92: {  	_ =	swait.ge [sflag:s4], $0x2800  }
0x93: {  	[sflag:s4] =	ssyncset.done $0x0  }
0x94: {  	s20 =	sadd.s32 $0xFFFFFB00, s13;
	[sflag:s4] =	ssyncadd.s32 $0xFFFFD800  }
0x95: {  	[hbm4b:s20+s3] =	stream.linear.scatter [tilespmem:s1], [sflag:$0x9], $0x2800, $0x38;
	[tilespmem:$0x1F000] =	vst v63  }
0x96: {  	_ =	swait.ge [sflag:s5], $0x2800  }
0x97: {  	[sflag:s5] =	ssyncset.done $0x0  }
.Ltmp0:
0x98: {  	s15 =	sadd.s32 $0x10580, s15;
	[sflag:s5] =	ssyncadd.s32 $0xFFFFD800;
	(pc) =	sbr.rel @p0 .LBB2_2-.Ltmp0, $4  }
0x99: {  	[tilespmem:s26], [sflag:$0x2] =	stream.indirect.gather [spmem:s2], $0x80, s15, s23, $0xb8;
	[tilespmem:$0x1F000] =	vst v63  }
0x9a: {  	_ =	swait.ge [sflag:s7], $0x2800  }
0x9b: {  	[sflag:s7] =	ssyncset.done $0x0  }
0x9c: {  	s13 =	sadd.s32 $0x1900, s13;
	[sflag:s7] =	ssyncadd.s32 $0xFFFFD800  }
0x9d: {  	[hbm4b:s18+s3] =	stream.linear.scatter [tilespmem:s28], [sflag:$0xA], $0x2800, $0x38;
	[tilespmem:$0x1F000] =	vst v63  }
0x9e: {  	_ =	swait.ge [sflag:s8], $0x2800  }
0x9f: {  	[sflag:s8] =	ssyncset.done $0x0  }
0xa0: {  	s12 =	simm.s32 $0x12680;
	[sflag:s8] =	ssyncadd.s32 $0xFFFFD800  }
0xa1: {  	[tilespmem:s29], [sflag:$0x3] =	stream.indirect.gather [spmem:s2], $0x80, s12, s23, $0xb8;
	[tilespmem:$0x1F000] =	vst v63  }
0xa2: {  	_ =	swait.ge [sflag:s30], $0x2800  }
0xa3: {  	[sflag:s30] =	ssyncset.done $0x0  }
0xa4: {  	s18 =	rddreg [dreg:$0xc];
	[sflag:s30] =	ssyncadd.s32 $0xFFFFD800  }
0xa5: {  	[hbm4b:s18+s3] =	stream.linear.scatter [tilespmem:s24], [sflag:$0x6], $0x2800, $0x38;
	[tilespmem:$0x1F000] =	vst v63  }
0xa6: {  	_ =	swait.ge [sflag:s9], $0x2800  }
0xa7: {  	[sflag:s9] =	ssyncset.done $0x0  }
0xa8: {  	s20 =	simm.s32 $0x12700;
	[sflag:s9] =	ssyncadd.s32 $0xFFFFD800  }
0xa9: {  	[tilespmem:s1], [sflag:$0x4] =	stream.indirect.gather [spmem:s2], $0x80, s20, s23, $0xb8;
	[tilespmem:$0x1F000] =	vst v63  }
0xaa: {  	_ =	swait.ge [sflag:s0], $0x2800  }
0xab: {  	[sflag:s0] =	ssyncset.done $0x0  }
0xac: {  	s13 =	rddreg [dreg:$0xd];
	[sflag:s0] =	ssyncadd.s32 $0xFFFFD800  }
0xad: {  	[hbm4b:s13+s3] =	stream.linear.scatter [tilespmem:s26], [sflag:$0x7], $0x2800, $0x38;
	[tilespmem:$0x1F000] =	vst v63  }
0xae: {  	_ =	swait.ge [sflag:s10], $0x2800  }
0xaf: {  	[sflag:s10] =	ssyncset.done $0x0  }
0xb0: {  	s15 =	simm.s32 $0x12780;
	[sflag:s10] =	ssyncadd.s32 $0xFFFFD800  }
0xb1: {  	[tilespmem:s28], [sflag:$0x5] =	stream.indirect.gather [spmem:s2], $0x80, s15, s23, $0xb8;
	[tilespmem:$0x1F000] =	vst v63  }
0xb2: {  	_ =	swait.ge [sflag:s31], $0x2800  }
0xb3: {  	[sflag:s31] =	ssyncset.done $0x0  }
0xb4: {  	s18 =	rddreg [dreg:$0xe];
	[sflag:s31] =	ssyncadd.s32 $0xFFFFD800  }
0xb5: {  	[hbm4b:s18+s3] =	stream.linear.scatter [tilespmem:s29], [sflag:$0x8], $0x2800, $0x38;
	[tilespmem:$0x1F000] =	vst v63  }
0xb6: {  	_ =	swait.ge [sflag:s4], $0x2800  }
0xb7: {  	[sflag:s4] =	ssyncset.done $0x0  }
0xb8: {  	s20 =	rddreg [dreg:$0xf];
	[sflag:s4] =	ssyncadd.s32 $0xFFFFD800  }
0xb9: {  	[hbm4b:s20+s3] =	stream.linear.scatter [tilespmem:s1], [sflag:$0x9], $0x2800, $0x38;
	[tilespmem:$0x1F000] =	vst v63  }
0xba: {  	_ =	swait.ge [sflag:s7], $0x2800  }
0xbb: {  	[sflag:s7] =	ssyncset.done $0x0  }
0xbc: {  	[sflag:s7] =	ssyncadd.s32 $0xFFFFD800  }
0xbd: {  	[hbm4b:s16+s3] =	stream.linear.scatter [tilespmem:s28], [sflag:$0xA], $0x2800, $0x38;
	[tilespmem:$0x1F000] =	vst v63  }
0xbe: {  	_ =	swait.ge [sflag:s25], $0x2800  }
0xbf: {  	[sflag:s25] =	ssyncset.done $0x0  }
0xc0: {  	[sflag:s25] =	ssyncadd.s32 $0xFFFFD800  }
0xc1: {  	_ =	swait.ge [sflag:s5], $0x2800  }
0xc2: {  	[sflag:s5] =	ssyncset.done $0x0  }
0xc3: {  	[sflag:s5] =	ssyncadd.s32 $0xFFFFD800  }
0xc4: {  	_ =	swait.ge [sflag:s8], $0x2800  }
0xc5: {  	[sflag:s8] =	ssyncset.done $0x0  }
0xc6: {  	s11 =	sadd.s32 $0x1, s11;
	[sflag:s8] =	ssyncadd.s32 $0xFFFFD800  }
0xc7: {  	p0 =	sne.s32 s11, s17;
	_ =	swait.ge [sflag:s9], $0x2800  }
.Ltmp1:
0xc8: {  	[sflag:s9] =	ssyncset.done $0x0;
	(pc) =	sbr.rel @p0 .LBB2_1-.Ltmp1, $4  }
0xc9: {  	[sflag:s9] =	ssyncadd.s32 $0xFFFFD800  }
0xca: {  	_ =	swait.ge [sflag:s10], $0x2800  }
0xcb: {  	[sflag:s10] =	ssyncset.done $0x0  }
0xcc: {  	[sflag:s10] =	ssyncadd.s32 $0xFFFFD800  }
0xcd: {  	_ =	sfence.sel $0x180000  }
0xce: {  	[bflag:$0x0] =	sbarrier.arrive $0xFFFF  }
0xcf: {  	_ =	strace $0x90000047  }
0xd0: {  	s0 =	stileid.u32;
	[bflag:$0x2] =	sbarrier.arrive $0xFFFF  }
0xd1: {  	p0 =	sne.s32 s0, $0x0;
	s0 =	rddreg [dreg:$0x4]  }
0xd2: {  	s0 =	sadd.s32 @!p0 $0x100000, s0  }
0xd3: {  	[sflag:s0] =	ssyncadd.tile.s32 @!p0 $0x1;
	_ =	shalt  }
.Lfunc_end2:
_tile_overlayer_lowered:
.L_overlay_start_2:
0xd4: {  	(tag) =	ssettag $0x2  }
0xd5: {  	s0 =	rddreg [dreg:$0x0];
	s2 =	stileid.u32  }
0xd6: {  	s1 =	rddreg [dreg:$0x1];
	p0 =	sne.s32 s2, $0x0  }
0xd7: {  	s3 =	rddreg [dreg:$0x2];
	[bflag:$0x3] =	sbarrier.arrive $0xFFFF;
	s2 =	simm.s32 @!p0 $0x1C0C  }
0xd8: {  	[timem:s3], [sflag:s2] =	dma.local @!p0 [hbm:s0], s1  }
0xd9: {  	s0 =	simm.s32 @!p0 $0xC  }
0xda: {  	_ =	swait.ge @!p0 [sflag:s0], s1  }
0xdb: {  	s1 =	ssub.s32 @!p0 $0x0, s1;
	[sflag:s0] =	ssyncset.done @!p0 $0x0  }
0xdc: {  	[sflag:s0] =	ssyncadd.s32 @!p0 s1  }
0xdd: {  	[bflag:$0x3] =	sbarrier.arrive $0xFFFF  }
0xde: {  	_ =	shalt  }

</sc_bundles>
